<compile_context>
chip_gen: v7x
topology: tpu7x:2x2x1
jax: 0.10.2.dev20260603
libtpu: 0.0.44.dev20260713+nightly
codegen_flags: <defaults>
</compile_context>

<pallas_src>
import functools

import jax
import jax.numpy as jnp
from jax import lax
from jax.experimental import pallas as pl
from jax.experimental.pallas import tpu as pltpu
from jax.experimental.pallas import tpu_sc as plsc

_VOCAB = 1000000
_PAD = _VOCAB - 1
_L = 16


@functools.cache
def _make_sc_embed(n_rows, vocab, emb, chunk):
    info = plsc.get_sparse_core_info()
    nc, ns = info.num_cores, info.num_subcores
    nw = nc * ns
    rows_per_w = n_rows // nw
    nchunk = rows_per_w // chunk
    mesh = plsc.VectorSubcoreMesh(core_axis_name="c", subcore_axis_name="s")

    @functools.partial(
        pl.kernel,
        mesh=mesh,
        out_type=jax.ShapeDtypeStruct((n_rows, 128), jnp.float32),
        scratch_types=[
            pltpu.VMEM((chunk,), jnp.int32),
            pltpu.VMEM((chunk,), jnp.int32),
            pltpu.VMEM((chunk, 128), jnp.float32),
            pltpu.VMEM((chunk, 128), jnp.float32),
            pltpu.SemaphoreType.DMA,
            pltpu.SemaphoreType.DMA,
        ],
    )
    def k(tokens_hbm, table_hbm, out_hbm, idx0_v, idx1_v, rows0_v, rows1_v,
          gsem, wsem):
        wid = lax.axis_index("s") * nc + lax.axis_index("c")
        wbase = wid * rows_per_w
        bufs = ((idx0_v, rows0_v), (idx1_v, rows1_v))

        def process(ci, idx_v, rows_v, first):
            base = pl.multiple_of(wbase + ci * chunk, 8)
            pltpu.sync_copy(tokens_hbm.at[pl.ds(base, chunk)], idx_v)
            cp = pltpu.async_copy(table_hbm.at[idx_v], rows_v, gsem)

            def scan_body(g, acc):
                v = idx_v[pl.ds(g * _L, _L)]
                return acc | jnp.where(v == _PAD, 1, 0)

            acc = lax.fori_loop(0, chunk // _L, scan_body,
                                jnp.zeros((_L,), jnp.int32))
            for sh in (8, 4, 2, 1):
                perm = lax.iota(jnp.int32, _L) ^ sh
                acc = acc | acc.at[perm].get(mode="promise_in_bounds")
            npad = acc[0]
            cp.wait()

            @pl.when(npad > 0)
            def _fix_pads():
                zeros = jnp.zeros((_L,), jnp.float32)

                def fix_group(g, c2):
                    v = idx_v[pl.ds(g * _L, _L)]
                    gacc = jnp.where(v == _PAD, 1, 0)
                    for sh in (8, 4, 2, 1):
                        perm = lax.iota(jnp.int32, _L) ^ sh
                        gacc = gacc | gacc.at[perm].get(
                            mode="promise_in_bounds")

                    @pl.when(gacc[0] > 0)
                    def _():
                        for j in range(_L):
                            @pl.when(v[j] == _PAD)
                            def _zero_row(j=j):
                                r = g * _L + j
                                for h in range(emb // _L):
                                    rows_v[r, pl.ds(h * _L, _L)] = zeros

                    return c2

                lax.fori_loop(0, chunk // _L, fix_group, 0)

            @pl.when(jnp.logical_not(first))
            def _drain():
                pltpu.make_async_copy(
                    rows_v, out_hbm.at[pl.ds(base, chunk)], wsem).wait()

            pltpu.async_copy(rows_v, out_hbm.at[pl.ds(base, chunk)], wsem)

        def pair_body(pi, carry):
            for b in range(2):
                (idx_v, rows_v) = bufs[b]
                process(pi * 2 + b, idx_v, rows_v, pi == 0)
            return carry

        lax.fori_loop(0, nchunk // 2, pair_body, 0)
        last = pl.multiple_of(wbase, 8)
        for _ in range(2):
            pltpu.make_async_copy(
                rows0_v, out_hbm.at[pl.ds(last, chunk)], wsem).wait()

    return k


@jax.jit
def kernel(tokens, table):
    n_seq, seq_len = tokens.shape
    vocab, emb = table.shape
    table_p = jnp.pad(table, ((0, 0), (0, 128 - emb)))
    flat = tokens.reshape(-1)
    out = _make_sc_embed(flat.shape[0], vocab, emb, 400)(flat, table_p)
    return out[:, :emb].reshape(n_seq, seq_len, emb)

# --- scband reference (transcript-rebuilt; emitter-appended) ---
"""Pipeline reference for scband-input-embeddings-1589137899576 (READ-ONLY COPY).

The authoritative reference and input builder live on the scoring server;
editing this copy changes nothing except your own understanding.
"""

import jax, jax.numpy as jnp
import numpy as np

VOCAB = 1000000
EMB = 32
PAD_IDX = VOCAB - 1

def setup_inputs(seed: int = 0) -> dict:
    key = jax.random.key(seed)
    k1, k2 = jax.random.split(key)
    tokens = jax.random.randint(k1, (4096, 200), 0, VOCAB, dtype=jnp.int64 if jax.config.jax_enable_x64 else jnp.int32).astype(jnp.int32)
    table = jax.random.normal(k2, (VOCAB, EMB), dtype=jnp.float32)
    return {"tokens": tokens, "table": table}

def reference(tokens, table):
    # nn.Embedding with padding_idx=vocab-1: the padding row embeds to zeros
    table = table.at[PAD_IDX].set(0.0)
    return jnp.take(table, tokens, axis=0)

if __name__ == "__main__":
    import jax
    _d = setup_inputs()
    print(jax.jit(kernel)(*tuple(_d.values())))

</pallas_src>

<mosaic_0001>
#map = affine_map<(d0, d1) -> (0)>
#map1 = affine_map<(d0, d1) -> (0, 0)>
module attributes {stable_mosaic.version = 14 : i64} {
  func.func @k(%arg0: i32, %arg1: i32, %arg2: memref<819200xi32, #tpu.memory_space<hbm>>, %arg3: memref<1000000x128xf32, #tpu.memory_space<hbm>>, %arg4: memref<819200x128xf32, #tpu.memory_space<hbm>>, %arg5: memref<400xi32, #tpu.memory_space<vmem>>, %arg6: memref<400xi32, #tpu.memory_space<vmem>>, %arg7: memref<400x128xf32, #tpu.memory_space<vmem>>, %arg8: memref<400x128xf32, #tpu.memory_space<vmem>>, %arg9: memref<!tpu.dma_semaphore, #tpu.memory_space<semaphore_mem>>, %arg10: memref<!tpu.dma_semaphore, #tpu.memory_space<semaphore_mem>>) attributes {dimension_semantics = [#tpu.dimension_semantics<core_parallel>, #tpu.dimension_semantics<subcore_parallel>], iteration_bounds = array<i64: 2, 16>, scalar_prefetch = 0 : i64, scratch_operands = 6 : i64, tpu.core_type = #tpu.core_type<sc_vector_subcore>, window_params = [{transform_indices = #map}, {transform_indices = #map1}, {transform_indices = #map1}]} {
    %mul3A = arith.constant 2 : i32
    %mul3A_0 = arith.muli %arg1, %mul3A : i32
    %add3A = arith.addi %mul3A_0, %arg0 : i32
    %mul3A_1 = arith.constant 25600 : i32
    %mul3A_2 = arith.muli %add3A, %mul3A_1 : i32
    %scan3A = arith.constant 0 : i32
    %scan3A_3 = arith.constant 0 : i32
    %scan3A_4 = arith.constant 32 : i32
    %scan3A_5 = arith.addi %scan3A_3, %scan3A_4 : i32
    %scan3A_6 = arith.constant 1 : i32
    scf.for %scan3A_15 = %scan3A_3 to %scan3A_5 step %scan3A_6  : i32 {
      %mul3A_16 = arith.constant 2 : i32
      %mul3A_17 = arith.muli %scan3A_15, %mul3A_16 : i32
      %add3A_18 = arith.constant 0 : i32
      %add3A_19 = arith.addi %mul3A_17, %add3A_18 : i32
      %eq3A = arith.constant 0 : i32
      %eq3A_20 = arith.cmpi eq, %scan3A_15, %eq3A : i32
      %mul3A_21 = arith.constant 400 : i32
      %mul3A_22 = arith.muli %add3A_19, %mul3A_21 : i32
      %add3A_23 = arith.addi %mul3A_2, %mul3A_22 : i32
      %multiple_of3A_24 = tpu.assume_multiple %add3A_23, 8 : i32
      "tpu.region"() ({
        %run_scoped3A = tpu.sem_alloc : memref<!tpu.dma_semaphore, #tpu.memory_space<semaphore_mem>>
        %dma_start3A_201 = tpu.memref_slice %arg2[%multiple_of3A_24] : memref<819200xi32, #tpu.memory_space<hbm>> -> memref<400xi32, #tpu.memory_space<hbm>>
        %dma_start3A_202 = tpu.memref_slice %arg2[%multiple_of3A_24] : memref<819200xi32, #tpu.memory_space<hbm>> -> memref<400xi32, #tpu.memory_space<hbm>>
        tpu.enqueue_dma source(%dma_start3A_202 : memref<400xi32, #tpu.memory_space<hbm>>) target(%arg5 : memref<400xi32, #tpu.memory_space<vmem>>) target_semaphore(%run_scoped3A : memref<!tpu.dma_semaphore, #tpu.memory_space<semaphore_mem>>)
        %dma_wait3A_203 = tpu.memref_slice %arg2[%multiple_of3A_24] : memref<819200xi32, #tpu.memory_space<hbm>> -> memref<400xi32, #tpu.memory_space<hbm>>
        %dma_wait3A_204 = tpu.memref_slice %arg2[%multiple_of3A_24] : memref<819200xi32, #tpu.memory_space<hbm>> -> memref<400xi32, #tpu.memory_space<hbm>>
        tpu.wait_dma2 semaphore(%run_scoped3A : memref<!tpu.dma_semaphore, #tpu.memory_space<semaphore_mem>>) src(%dma_wait3A_204 : memref<400xi32, #tpu.memory_space<hbm>>) dst(%arg5 : memref<400xi32, #tpu.memory_space<vmem>>)
        tpu.yield
      }) : () -> ()
      %dma_start3A = arith.constant 0 : i32
      %dma_start3A_25 = arith.constant 0 : i32
      %dma_start3A_26 = tpu.memref_slice %arg3[%dma_start3A, %dma_start3A_25] : memref<1000000x128xf32, #tpu.memory_space<hbm>> -> memref<1000000x128xf32, #tpu.memory_space<hbm>>
      tpu.enqueue_indirect_dma source(%dma_start3A_26 : memref<1000000x128xf32, #tpu.memory_space<hbm>>) target(%arg7 : memref<400x128xf32, #tpu.memory_space<vmem>>) offsets(%arg5 : memref<400xi32, #tpu.memory_space<vmem>>) semaphore(%arg9 : memref<!tpu.dma_semaphore, #tpu.memory_space<semaphore_mem>>)
      %broadcast_in_dim3A = arith.constant 0 : i32
      %broadcast_in_dim3A_27 = vector.broadcast %broadcast_in_dim3A : i32 to vector<16xi32>
      %scan3A_28 = arith.constant 0 : i32
      %scan3A_29 = arith.constant 25 : i32
      %scan3A_30 = arith.addi %scan3A_28, %scan3A_29 : i32
      %scan3A_31 = arith.constant 1 : i32
      %scan3A_32 = scf.for %scan3A_201 = %scan3A_28 to %scan3A_30 step %scan3A_31 iter_args(%scan3A_202 = %broadcast_in_dim3A_27) -> (vector<16xi32>)  : i32 {
        %mul3A_203 = arith.constant 16 : i32
        %mul3A_204 = arith.muli %scan3A_201, %mul3A_203 : i32
        %get3A = arith.index_cast %mul3A_204 : i32 to index
        %get3A_205 = tpu.vector_load %arg5[%get3A] {strides = array<i32>} : memref<400xi32, #tpu.memory_space<vmem>>, vector<16xi32>,
        %get3A_206 = vector.shape_cast %get3A_205 : vector<16xi32> to vector<16xi32>
        %eq3A_207 = arith.constant 999999 : i32
        %eq3A_208 = vector.broadcast %eq3A_207 : i32 to vector<16xi32>
        %eq3A_209 = arith.cmpi eq, %get3A_206, %eq3A_208 : vector<16xi32>
        %jit3A = arith.constant 1 : i32
        %jit3A_210 = arith.constant 0 : i32
        %broadcast_in_dim3A_211 = vector.broadcast %jit3A : i32 to vector<16xi32>
        %broadcast_in_dim3A_212 = vector.broadcast %jit3A_210 : i32 to vector<16xi32>
        %select_n3A_213 = arith.select %eq3A_209, %broadcast_in_dim3A_211, %broadcast_in_dim3A_212 : vector<16xi1>, vector<16xi32>
        %or3A_214 = arith.ori %scan3A_202, %select_n3A_213 : vector<16xi32>
        scf.yield %or3A_214 : vector<16xi32>
      }
      %scan3A_33 = arith.constant 25 : i32
      %iota3A = tpu.iota {dimensions = array<i32: 0>} : vector<16xi32>
      %xor3A = arith.constant 8 : i32
      %xor3A_34 = vector.broadcast %xor3A : i32 to vector<16xi32>
      %xor3A_35 = arith.xori %iota3A, %xor3A_34 : vector<16xi32>
      %lt3A = arith.constant 0 : i32
      %lt3A_36 = vector.broadcast %lt3A : i32 to vector<16xi32>
      %lt3A_37 = arith.cmpi slt, %xor3A_35, %lt3A_36 : vector<16xi32>
      %add3A_38 = arith.constant 16 : i32
      %add3A_39 = vector.broadcast %add3A_38 : i32 to vector<16xi32>
      %add3A_40 = arith.addi %xor3A_35, %add3A_39 : vector<16xi32>
      %select_n3A = arith.select %lt3A_37, %add3A_40, %xor3A_35 : vector<16xi1>, vector<16xi32>
      %broadcast_in_dim3A_41 = vector.shape_cast %select_n3A : vector<16xi32> to vector<16x1xi32>
      %gather3A = vector.shape_cast %broadcast_in_dim3A_41 : vector<16x1xi32> to vector<16xi32>
      %gather3A_42 = tpu.dynamic_gather %scan3A_32[%gather3A] in [0] : vector<16xi32>, vector<16xi32> -> vector<16xi32>
      %or3A = arith.ori %scan3A_32, %gather3A_42 : vector<16xi32>
      %iota3A_43 = tpu.iota {dimensions = array<i32: 0>} : vector<16xi32>
      %xor3A_44 = arith.constant 4 : i32
      %xor3A_45 = vector.broadcast %xor3A_44 : i32 to vector<16xi32>
      %xor3A_46 = arith.xori %iota3A_43, %xor3A_45 : vector<16xi32>
      %lt3A_47 = arith.constant 0 : i32
      %lt3A_48 = vector.broadcast %lt3A_47 : i32 to vector<16xi32>
      %lt3A_49 = arith.cmpi slt, %xor3A_46, %lt3A_48 : vector<16xi32>
      %add3A_50 = arith.constant 16 : i32
      %add3A_51 = vector.broadcast %add3A_50 : i32 to vector<16xi32>
      %add3A_52 = arith.addi %xor3A_46, %add3A_51 : vector<16xi32>
      %select_n3A_53 = arith.select %lt3A_49, %add3A_52, %xor3A_46 : vector<16xi1>, vector<16xi32>
      %broadcast_in_dim3A_54 = vector.shape_cast %select_n3A_53 : vector<16xi32> to vector<16x1xi32>
      %gather3A_55 = vector.shape_cast %broadcast_in_dim3A_54 : vector<16x1xi32> to vector<16xi32>
      %gather3A_56 = tpu.dynamic_gather %or3A[%gather3A_55] in [0] : vector<16xi32>, vector<16xi32> -> vector<16xi32>
      %or3A_57 = arith.ori %or3A, %gather3A_56 : vector<16xi32>
      %iota3A_58 = tpu.iota {dimensions = array<i32: 0>} : vector<16xi32>
      %xor3A_59 = arith.constant 2 : i32
      %xor3A_60 = vector.broadcast %xor3A_59 : i32 to vector<16xi32>
      %xor3A_61 = arith.xori %iota3A_58, %xor3A_60 : vector<16xi32>
      %lt3A_62 = arith.constant 0 : i32
      %lt3A_63 = vector.broadcast %lt3A_62 : i32 to vector<16xi32>
      %lt3A_64 = arith.cmpi slt, %xor3A_61, %lt3A_63 : vector<16xi32>
      %add3A_65 = arith.constant 16 : i32
      %add3A_66 = vector.broadcast %add3A_65 : i32 to vector<16xi32>
      %add3A_67 = arith.addi %xor3A_61, %add3A_66 : vector<16xi32>
      %select_n3A_68 = arith.select %lt3A_64, %add3A_67, %xor3A_61 : vector<16xi1>, vector<16xi32>
      %broadcast_in_dim3A_69 = vector.shape_cast %select_n3A_68 : vector<16xi32> to vector<16x1xi32>
      %gather3A_70 = vector.shape_cast %broadcast_in_dim3A_69 : vector<16x1xi32> to vector<16xi32>
      %gather3A_71 = tpu.dynamic_gather %or3A_57[%gather3A_70] in [0] : vector<16xi32>, vector<16xi32> -> vector<16xi32>
      %or3A_72 = arith.ori %or3A_57, %gather3A_71 : vector<16xi32>
      %iota3A_73 = tpu.iota {dimensions = array<i32: 0>} : vector<16xi32>
      %xor3A_74 = arith.constant 1 : i32
      %xor3A_75 = vector.broadcast %xor3A_74 : i32 to vector<16xi32>
      %xor3A_76 = arith.xori %iota3A_73, %xor3A_75 : vector<16xi32>
      %lt3A_77 = arith.constant 0 : i32
      %lt3A_78 = vector.broadcast %lt3A_77 : i32 to vector<16xi32>
      %lt3A_79 = arith.cmpi slt, %xor3A_76, %lt3A_78 : vector<16xi32>
      %add3A_80 = arith.constant 16 : i32
      %add3A_81 = vector.broadcast %add3A_80 : i32 to vector<16xi32>
      %add3A_82 = arith.addi %xor3A_76, %add3A_81 : vector<16xi32>
      %select_n3A_83 = arith.select %lt3A_79, %add3A_82, %xor3A_76 : vector<16xi1>, vector<16xi32>
      %broadcast_in_dim3A_84 = vector.shape_cast %select_n3A_83 : vector<16xi32> to vector<16x1xi32>
      %gather3A_85 = vector.shape_cast %broadcast_in_dim3A_84 : vector<16x1xi32> to vector<16xi32>
      %gather3A_86 = tpu.dynamic_gather %or3A_72[%gather3A_85] in [0] : vector<16xi32>, vector<16xi32> -> vector<16xi32>
      %or3A_87 = arith.ori %or3A_72, %gather3A_86 : vector<16xi32>
      %slice3A = vector.extract_strided_slice %or3A_87 {offsets = [0], sizes = [1], strides = [1]} : vector<16xi32> to vector<1xi32>
      %squeeze3A = vector.extract %slice3A[0] : i32 from vector<1xi32>
      %dma_wait3A_88 = arith.constant 0 : i32
      %dma_wait3A_89 = arith.constant 0 : i32
      %dma_wait3A_90 = tpu.memref_slice %arg3[%dma_wait3A_88, %dma_wait3A_89] : memref<1000000x128xf32, #tpu.memory_space<hbm>> -> memref<1000000x128xf32, #tpu.memory_space<hbm>>
      tpu.wait_indirect_dma semaphore(%arg9 : memref<!tpu.dma_semaphore, #tpu.memory_space<semaphore_mem>>) src(%dma_wait3A_90 : memref<1000000x128xf32, #tpu.memory_space<hbm>>) dst(%arg7 : memref<400x128xf32, #tpu.memory_space<vmem>>)
      %gt3A = arith.constant 0 : i32
      %gt3A_91 = arith.cmpi sgt, %squeeze3A, %gt3A : i32
      %convert_element_type3A = arith.extui %gt3A_91 : i1 to i32
      %cond3A = arith.constant 0 : i32
      %cond3A_92 = arith.cmpi ne, %convert_element_type3A, %cond3A : i32
      scf.if %cond3A_92 {
        %broadcast_in_dim3A_201 = arith.constant 0.000000e+00 : f32
        %broadcast_in_dim3A_202 = vector.broadcast %broadcast_in_dim3A_201 : f32 to vector<16xf32>
        %scan3A_203 = arith.constant 0 : i32
        %scan3A_204 = arith.constant 0 : i32
        %scan3A_205 = arith.constant 25 : i32
        %scan3A_206 = arith.addi %scan3A_204, %scan3A_205 : i32
        %scan3A_207 = arith.constant 1 : i32
        scf.for %scan3A_209 = %scan3A_204 to %scan3A_206 step %scan3A_207  : i32 {
          %mul3A_210 = arith.constant 16 : i32
          %mul3A_211 = arith.muli %scan3A_209, %mul3A_210 : i32
          %get3A = arith.index_cast %mul3A_211 : i32 to index
          %get3A_212 = tpu.vector_load %arg5[%get3A] {strides = array<i32>} : memref<400xi32, #tpu.memory_space<vmem>>, vector<16xi32>,
          %get3A_213 = vector.shape_cast %get3A_212 : vector<16xi32> to vector<16xi32>
          %eq3A_214 = arith.constant 999999 : i32
          %eq3A_215 = vector.broadcast %eq3A_214 : i32 to vector<16xi32>
          %eq3A_216 = arith.cmpi eq, %get3A_213, %eq3A_215 : vector<16xi32>
          %jit3A = arith.constant 1 : i32
          %jit3A_217 = arith.constant 0 : i32
          %broadcast_in_dim3A_218 = vector.broadcast %jit3A : i32 to vector<16xi32>
          %broadcast_in_dim3A_219 = vector.broadcast %jit3A_217 : i32 to vector<16xi32>
          %select_n3A_220 = arith.select %eq3A_216, %broadcast_in_dim3A_218, %broadcast_in_dim3A_219 : vector<16xi1>, vector<16xi32>
          %iota3A_221 = tpu.iota {dimensions = array<i32: 0>} : vector<16xi32>
          %xor3A_222 = arith.constant 8 : i32
          %xor3A_223 = vector.broadcast %xor3A_222 : i32 to vector<16xi32>
          %xor3A_224 = arith.xori %iota3A_221, %xor3A_223 : vector<16xi32>
          %lt3A_225 = arith.constant 0 : i32
          %lt3A_226 = vector.broadcast %lt3A_225 : i32 to vector<16xi32>
          %lt3A_227 = arith.cmpi slt, %xor3A_224, %lt3A_226 : vector<16xi32>
          %add3A_228 = arith.constant 16 : i32
          %add3A_229 = vector.broadcast %add3A_228 : i32 to vector<16xi32>
          %add3A_230 = arith.addi %xor3A_224, %add3A_229 : vector<16xi32>
          %select_n3A_231 = arith.select %lt3A_227, %add3A_230, %xor3A_224 : vector<16xi1>, vector<16xi32>
          %broadcast_in_dim3A_232 = vector.shape_cast %select_n3A_231 : vector<16xi32> to vector<16x1xi32>
          %gather3A_233 = vector.shape_cast %broadcast_in_dim3A_232 : vector<16x1xi32> to vector<16xi32>
          %gather3A_234 = tpu.dynamic_gather %select_n3A_220[%gather3A_233] in [0] : vector<16xi32>, vector<16xi32> -> vector<16xi32>
          %or3A_235 = arith.ori %select_n3A_220, %gather3A_234 : vector<16xi32>
          %iota3A_236 = tpu.iota {dimensions = array<i32: 0>} : vector<16xi32>
          %xor3A_237 = arith.constant 4 : i32
          %xor3A_238 = vector.broadcast %xor3A_237 : i32 to vector<16xi32>
          %xor3A_239 = arith.xori %iota3A_236, %xor3A_238 : vector<16xi32>
          %lt3A_240 = arith.constant 0 : i32
          %lt3A_241 = vector.broadcast %lt3A_240 : i32 to vector<16xi32>
          %lt3A_242 = arith.cmpi slt, %xor3A_239, %lt3A_241 : vector<16xi32>
          %add3A_243 = arith.constant 16 : i32
          %add3A_244 = vector.broadcast %add3A_243 : i32 to vector<16xi32>
          %add3A_245 = arith.addi %xor3A_239, %add3A_244 : vector<16xi32>
          %select_n3A_246 = arith.select %lt3A_242, %add3A_245, %xor3A_239 : vector<16xi1>, vector<16xi32>
          %broadcast_in_dim3A_247 = vector.shape_cast %select_n3A_246 : vector<16xi32> to vector<16x1xi32>
          %gather3A_248 = vector.shape_cast %broadcast_in_dim3A_247 : vector<16x1xi32> to vector<16xi32>
          %gather3A_249 = tpu.dynamic_gather %or3A_235[%gather3A_248] in [0] : vector<16xi32>, vector<16xi32> -> vector<16xi32>
          %or3A_250 = arith.ori %or3A_235, %gather3A_249 : vector<16xi32>
          %iota3A_251 = tpu.iota {dimensions = array<i32: 0>} : vector<16xi32>
          %xor3A_252 = arith.constant 2 : i32
          %xor3A_253 = vector.broadcast %xor3A_252 : i32 to vector<16xi32>
          %xor3A_254 = arith.xori %iota3A_251, %xor3A_253 : vector<16xi32>
          %lt3A_255 = arith.constant 0 : i32
          %lt3A_256 = vector.broadcast %lt3A_255 : i32 to vector<16xi32>
          %lt3A_257 = arith.cmpi slt, %xor3A_254, %lt3A_256 : vector<16xi32>
          %add3A_258 = arith.constant 16 : i32
          %add3A_259 = vector.broadcast %add3A_258 : i32 to vector<16xi32>
          %add3A_260 = arith.addi %xor3A_254, %add3A_259 : vector<16xi32>
          %select_n3A_261 = arith.select %lt3A_257, %add3A_260, %xor3A_254 : vector<16xi1>, vector<16xi32>
          %broadcast_in_dim3A_262 = vector.shape_cast %select_n3A_261 : vector<16xi32> to vector<16x1xi32>
          %gather3A_263 = vector.shape_cast %broadcast_in_dim3A_262 : vector<16x1xi32> to vector<16xi32>
          %gather3A_264 = tpu.dynamic_gather %or3A_250[%gather3A_263] in [0] : vector<16xi32>, vector<16xi32> -> vector<16xi32>
          %or3A_265 = arith.ori %or3A_250, %gather3A_264 : vector<16xi32>
          %iota3A_266 = tpu.iota {dimensions = array<i32: 0>} : vector<16xi32>
          %xor3A_267 = arith.constant 1 : i32
          %xor3A_268 = vector.broadcast %xor3A_267 : i32 to vector<16xi32>
          %xor3A_269 = arith.xori %iota3A_266, %xor3A_268 : vector<16xi32>
          %lt3A_270 = arith.constant 0 : i32
          %lt3A_271 = vector.broadcast %lt3A_270 : i32 to vector<16xi32>
          %lt3A_272 = arith.cmpi slt, %xor3A_269, %lt3A_271 : vector<16xi32>
          %add3A_273 = arith.constant 16 : i32
          %add3A_274 = vector.broadcast %add3A_273 : i32 to vector<16xi32>
          %add3A_275 = arith.addi %xor3A_269, %add3A_274 : vector<16xi32>
          %select_n3A_276 = arith.select %lt3A_272, %add3A_275, %xor3A_269 : vector<16xi1>, vector<16xi32>
          %broadcast_in_dim3A_277 = vector.shape_cast %select_n3A_276 : vector<16xi32> to vector<16x1xi32>
          %gather3A_278 = vector.shape_cast %broadcast_in_dim3A_277 : vector<16x1xi32> to vector<16xi32>
          %gather3A_279 = tpu.dynamic_gather %or3A_265[%gather3A_278] in [0] : vector<16xi32>, vector<16xi32> -> vector<16xi32>
          %or3A_280 = arith.ori %or3A_265, %gather3A_279 : vector<16xi32>
          %slice3A_281 = vector.extract_strided_slice %or3A_280 {offsets = [0], sizes = [1], strides = [1]} : vector<16xi32> to vector<1xi32>
          %squeeze3A_282 = vector.extract %slice3A_281[0] : i32 from vector<1xi32>
          %gt3A_283 = arith.constant 0 : i32
          %gt3A_284 = arith.cmpi sgt, %squeeze3A_282, %gt3A_283 : i32
          %convert_element_type3A_285 = arith.extui %gt3A_284 : i1 to i32
          %cond3A_286 = arith.constant 0 : i32
          %cond3A_287 = arith.cmpi ne, %convert_element_type3A_285, %cond3A_286 : i32
          scf.if %cond3A_287 {
            %slice3A_288 = vector.extract_strided_slice %get3A_213 {offsets = [0], sizes = [1], strides = [1]} : vector<16xi32> to vector<1xi32>
            %squeeze3A_289 = vector.extract %slice3A_288[0] : i32 from vector<1xi32>
            %eq3A_290 = arith.constant 999999 : i32
            %eq3A_291 = arith.cmpi eq, %squeeze3A_289, %eq3A_290 : i32
            %convert_element_type3A_292 = arith.extui %eq3A_291 : i1 to i32
            %cond3A_293 = arith.constant 0 : i32
            %cond3A_294 = arith.cmpi ne, %convert_element_type3A_292, %cond3A_293 : i32
            scf.if %cond3A_294 {
              %mul3A_400 = arith.constant 16 : i32
              %mul3A_401 = arith.muli %scan3A_209, %mul3A_400 : i32
              %add3A_402 = arith.constant 0 : i32
              %add3A_403 = arith.addi %mul3A_401, %add3A_402 : i32
              %swap3A = arith.index_cast %add3A_403 : i32 to index
              %swap3A_404 = arith.constant 0 : index
              %swap3A_405 = tpu.vector_load %arg7[%swap3A, %swap3A_404] {strides = array<i32>} : memref<400x128xf32, #tpu.memory_space<vmem>>, vector<1x16xf32>,
              %swap3A_406 = vector.shape_cast %swap3A_405 : vector<1x16xf32> to vector<16xf32>
              %swap3A_407 = vector.shape_cast %broadcast_in_dim3A_202 : vector<16xf32> to vector<1x16xf32>
              tpu.vector_store %arg7[%swap3A, %swap3A_404], %swap3A_407 {strides = array<i32>} : memref<400x128xf32, #tpu.memory_space<vmem>>, vector<1x16xf32>,
              %swap3A_408 = arith.index_cast %add3A_403 : i32 to index
              %swap3A_409 = arith.constant 16 : index
              %swap3A_410 = tpu.vector_load %arg7[%swap3A_408, %swap3A_409] {strides = array<i32>} : memref<400x128xf32, #tpu.memory_space<vmem>>, vector<1x16xf32>,
              %swap3A_411 = vector.shape_cast %swap3A_410 : vector<1x16xf32> to vector<16xf32>
              %swap3A_412 = vector.shape_cast %broadcast_in_dim3A_202 : vector<16xf32> to vector<1x16xf32>
              tpu.vector_store %arg7[%swap3A_408, %swap3A_409], %swap3A_412 {strides = array<i32>} : memref<400x128xf32, #tpu.memory_space<vmem>>, vector<1x16xf32>,
            } else {
            }
            %slice3A_295 = vector.extract_strided_slice %get3A_213 {offsets = [1], sizes = [1], strides = [1]} : vector<16xi32> to vector<1xi32>
            %squeeze3A_296 = vector.extract %slice3A_295[0] : i32 from vector<1xi32>
            %eq3A_297 = arith.constant 999999 : i32
            %eq3A_298 = arith.cmpi eq, %squeeze3A_296, %eq3A_297 : i32
            %convert_element_type3A_299 = arith.extui %eq3A_298 : i1 to i32
            %cond3A_300 = arith.constant 0 : i32
            %cond3A_301 = arith.cmpi ne, %convert_element_type3A_299, %cond3A_300 : i32
            scf.if %cond3A_301 {
              %mul3A_400 = arith.constant 16 : i32
              %mul3A_401 = arith.muli %scan3A_209, %mul3A_400 : i32
              %add3A_402 = arith.constant 1 : i32
              %add3A_403 = arith.addi %mul3A_401, %add3A_402 : i32
              %swap3A = arith.index_cast %add3A_403 : i32 to index
              %swap3A_404 = arith.constant 0 : index
              %swap3A_405 = tpu.vector_load %arg7[%swap3A, %swap3A_404] {strides = array<i32>} : memref<400x128xf32, #tpu.memory_space<vmem>>, vector<1x16xf32>,
              %swap3A_406 = vector.shape_cast %swap3A_405 : vector<1x16xf32> to vector<16xf32>
              %swap3A_407 = vector.shape_cast %broadcast_in_dim3A_202 : vector<16xf32> to vector<1x16xf32>
              tpu.vector_store %arg7[%swap3A, %swap3A_404], %swap3A_407 {strides = array<i32>} : memref<400x128xf32, #tpu.memory_space<vmem>>, vector<1x16xf32>,
              %swap3A_408 = arith.index_cast %add3A_403 : i32 to index
              %swap3A_409 = arith.constant 16 : index
              %swap3A_410 = tpu.vector_load %arg7[%swap3A_408, %swap3A_409] {strides = array<i32>} : memref<400x128xf32, #tpu.memory_space<vmem>>, vector<1x16xf32>,
              %swap3A_411 = vector.shape_cast %swap3A_410 : vector<1x16xf32> to vector<16xf32>
              %swap3A_412 = vector.shape_cast %broadcast_in_dim3A_202 : vector<16xf32> to vector<1x16xf32>
              tpu.vector_store %arg7[%swap3A_408, %swap3A_409], %swap3A_412 {strides = array<i32>} : memref<400x128xf32, #tpu.memory_space<vmem>>, vector<1x16xf32>,
            } else {
            }
            %slice3A_302 = vector.extract_strided_slice %get3A_213 {offsets = [2], sizes = [1], strides = [1]} : vector<16xi32> to vector<1xi32>
            %squeeze3A_303 = vector.extract %slice3A_302[0] : i32 from vector<1xi32>
            %eq3A_304 = arith.constant 999999 : i32
            %eq3A_305 = arith.cmpi eq, %squeeze3A_303, %eq3A_304 : i32
            %convert_element_type3A_306 = arith.extui %eq3A_305 : i1 to i32
            %cond3A_307 = arith.constant 0 : i32
            %cond3A_308 = arith.cmpi ne, %convert_element_type3A_306, %cond3A_307 : i32
            scf.if %cond3A_308 {
              %mul3A_400 = arith.constant 16 : i32
              %mul3A_401 = arith.muli %scan3A_209, %mul3A_400 : i32
              %add3A_402 = arith.constant 2 : i32
              %add3A_403 = arith.addi %mul3A_401, %add3A_402 : i32
              %swap3A = arith.index_cast %add3A_403 : i32 to index
              %swap3A_404 = arith.constant 0 : index
              %swap3A_405 = tpu.vector_load %arg7[%swap3A, %swap3A_404] {strides = array<i32>} : memref<400x128xf32, #tpu.memory_space<vmem>>, vector<1x16xf32>,
              %swap3A_406 = vector.shape_cast %swap3A_405 : vector<1x16xf32> to vector<16xf32>
              %swap3A_407 = vector.shape_cast %broadcast_in_dim3A_202 : vector<16xf32> to vector<1x16xf32>
              tpu.vector_store %arg7[%swap3A, %swap3A_404], %swap3A_407 {strides = array<i32>} : memref<400x128xf32, #tpu.memory_space<vmem>>, vector<1x16xf32>,
              %swap3A_408 = arith.index_cast %add3A_403 : i32 to index
              %swap3A_409 = arith.constant 16 : index
              %swap3A_410 = tpu.vector_load %arg7[%swap3A_408, %swap3A_409] {strides = array<i32>} : memref<400x128xf32, #tpu.memory_space<vmem>>, vector<1x16xf32>,
              %swap3A_411 = vector.shape_cast %swap3A_410 : vector<1x16xf32> to vector<16xf32>
              %swap3A_412 = vector.shape_cast %broadcast_in_dim3A_202 : vector<16xf32> to vector<1x16xf32>
              tpu.vector_store %arg7[%swap3A_408, %swap3A_409], %swap3A_412 {strides = array<i32>} : memref<400x128xf32, #tpu.memory_space<vmem>>, vector<1x16xf32>,
            } else {
            }
            %slice3A_309 = vector.extract_strided_slice %get3A_213 {offsets = [3], sizes = [1], strides = [1]} : vector<16xi32> to vector<1xi32>
            %squeeze3A_310 = vector.extract %slice3A_309[0] : i32 from vector<1xi32>
            %eq3A_311 = arith.constant 999999 : i32
            %eq3A_312 = arith.cmpi eq, %squeeze3A_310, %eq3A_311 : i32
            %convert_element_type3A_313 = arith.extui %eq3A_312 : i1 to i32
            %cond3A_314 = arith.constant 0 : i32
            %cond3A_315 = arith.cmpi ne, %convert_element_type3A_313, %cond3A_314 : i32
            scf.if %cond3A_315 {
              %mul3A_400 = arith.constant 16 : i32
              %mul3A_401 = arith.muli %scan3A_209, %mul3A_400 : i32
              %add3A_402 = arith.constant 3 : i32
              %add3A_403 = arith.addi %mul3A_401, %add3A_402 : i32
              %swap3A = arith.index_cast %add3A_403 : i32 to index
              %swap3A_404 = arith.constant 0 : index
              %swap3A_405 = tpu.vector_load %arg7[%swap3A, %swap3A_404] {strides = array<i32>} : memref<400x128xf32, #tpu.memory_space<vmem>>, vector<1x16xf32>,
              %swap3A_406 = vector.shape_cast %swap3A_405 : vector<1x16xf32> to vector<16xf32>
              %swap3A_407 = vector.shape_cast %broadcast_in_dim3A_202 : vector<16xf32> to vector<1x16xf32>
              tpu.vector_store %arg7[%swap3A, %swap3A_404], %swap3A_407 {strides = array<i32>} : memref<400x128xf32, #tpu.memory_space<vmem>>, vector<1x16xf32>,
              %swap3A_408 = arith.index_cast %add3A_403 : i32 to index
              %swap3A_409 = arith.constant 16 : index
              %swap3A_410 = tpu.vector_load %arg7[%swap3A_408, %swap3A_409] {strides = array<i32>} : memref<400x128xf32, #tpu.memory_space<vmem>>, vector<1x16xf32>,
              %swap3A_411 = vector.shape_cast %swap3A_410 : vector<1x16xf32> to vector<16xf32>
              %swap3A_412 = vector.shape_cast %broadcast_in_dim3A_202 : vector<16xf32> to vector<1x16xf32>
              tpu.vector_store %arg7[%swap3A_408, %swap3A_409], %swap3A_412 {strides = array<i32>} : memref<400x128xf32, #tpu.memory_space<vmem>>, vector<1x16xf32>,
            } else {
            }
            %slice3A_316 = vector.extract_strided_slice %get3A_213 {offsets = [4], sizes = [1], strides = [1]} : vector<16xi32> to vector<1xi32>
            %squeeze3A_317 = vector.extract %slice3A_316[0] : i32 from vector<1xi32>
            %eq3A_318 = arith.constant 999999 : i32
            %eq3A_319 = arith.cmpi eq, %squeeze3A_317, %eq3A_318 : i32
            %convert_element_type3A_320 = arith.extui %eq3A_319 : i1 to i32
            %cond3A_321 = arith.constant 0 : i32
            %cond3A_322 = arith.cmpi ne, %convert_element_type3A_320, %cond3A_321 : i32
            scf.if %cond3A_322 {
              %mul3A_400 = arith.constant 16 : i32
              %mul3A_401 = arith.muli %scan3A_209, %mul3A_400 : i32
              %add3A_402 = arith.constant 4 : i32
              %add3A_403 = arith.addi %mul3A_401, %add3A_402 : i32
              %swap3A = arith.index_cast %add3A_403 : i32 to index
              %swap3A_404 = arith.constant 0 : index
              %swap3A_405 = tpu.vector_load %arg7[%swap3A, %swap3A_404] {strides = array<i32>} : memref<400x128xf32, #tpu.memory_space<vmem>>, vector<1x16xf32>,
              %swap3A_406 = vector.shape_cast %swap3A_405 : vector<1x16xf32> to vector<16xf32>
              %swap3A_407 = vector.shape_cast %broadcast_in_dim3A_202 : vector<16xf32> to vector<1x16xf32>
              tpu.vector_store %arg7[%swap3A, %swap3A_404], %swap3A_407 {strides = array<i32>} : memref<400x128xf32, #tpu.memory_space<vmem>>, vector<1x16xf32>,
              %swap3A_408 = arith.index_cast %add3A_403 : i32 to index
              %swap3A_409 = arith.constant 16 : index
              %swap3A_410 = tpu.vector_load %arg7[%swap3A_408, %swap3A_409] {strides = array<i32>} : memref<400x128xf32, #tpu.memory_space<vmem>>, vector<1x16xf32>,
              %swap3A_411 = vector.shape_cast %swap3A_410 : vector<1x16xf32> to vector<16xf32>
              %swap3A_412 = vector.shape_cast %broadcast_in_dim3A_202 : vector<16xf32> to vector<1x16xf32>
              tpu.vector_store %arg7[%swap3A_408, %swap3A_409], %swap3A_412 {strides = array<i32>} : memref<400x128xf32, #tpu.memory_space<vmem>>, vector<1x16xf32>,
            } else {
            }
            %slice3A_323 = vector.extract_strided_slice %get3A_213 {offsets = [5], sizes = [1], strides = [1]} : vector<16xi32> to vector<1xi32>
            %squeeze3A_324 = vector.extract %slice3A_323[0] : i32 from vector<1xi32>
            %eq3A_325 = arith.constant 999999 : i32
            %eq3A_326 = arith.cmpi eq, %squeeze3A_324, %eq3A_325 : i32
            %convert_element_type3A_327 = arith.extui %eq3A_326 : i1 to i32
            %cond3A_328 = arith.constant 0 : i32
            %cond3A_329 = arith.cmpi ne, %convert_element_type3A_327, %cond3A_328 : i32
            scf.if %cond3A_329 {
              %mul3A_400 = arith.constant 16 : i32
              %mul3A_401 = arith.muli %scan3A_209, %mul3A_400 : i32
              %add3A_402 = arith.constant 5 : i32
              %add3A_403 = arith.addi %mul3A_401, %add3A_402 : i32
              %swap3A = arith.index_cast %add3A_403 : i32 to index
              %swap3A_404 = arith.constant 0 : index
              %swap3A_405 = tpu.vector_load %arg7[%swap3A, %swap3A_404] {strides = array<i32>} : memref<400x128xf32, #tpu.memory_space<vmem>>, vector<1x16xf32>,
              %swap3A_406 = vector.shape_cast %swap3A_405 : vector<1x16xf32> to vector<16xf32>
              %swap3A_407 = vector.shape_cast %broadcast_in_dim3A_202 : vector<16xf32> to vector<1x16xf32>
              tpu.vector_store %arg7[%swap3A, %swap3A_404], %swap3A_407 {strides = array<i32>} : memref<400x128xf32, #tpu.memory_space<vmem>>, vector<1x16xf32>,
              %swap3A_408 = arith.index_cast %add3A_403 : i32 to index
              %swap3A_409 = arith.constant 16 : index
              %swap3A_410 = tpu.vector_load %arg7[%swap3A_408, %swap3A_409] {strides = array<i32>} : memref<400x128xf32, #tpu.memory_space<vmem>>, vector<1x16xf32>,
              %swap3A_411 = vector.shape_cast %swap3A_410 : vector<1x16xf32> to vector<16xf32>
              %swap3A_412 = vector.shape_cast %broadcast_in_dim3A_202 : vector<16xf32> to vector<1x16xf32>
              tpu.vector_store %arg7[%swap3A_408, %swap3A_409], %swap3A_412 {strides = array<i32>} : memref<400x128xf32, #tpu.memory_space<vmem>>, vector<1x16xf32>,
            } else {
            }
            %slice3A_330 = vector.extract_strided_slice %get3A_213 {offsets = [6], sizes = [1], strides = [1]} : vector<16xi32> to vector<1xi32>
            %squeeze3A_331 = vector.extract %slice3A_330[0] : i32 from vector<1xi32>
            %eq3A_332 = arith.constant 999999 : i32
            %eq3A_333 = arith.cmpi eq, %squeeze3A_331, %eq3A_332 : i32
            %convert_element_type3A_334 = arith.extui %eq3A_333 : i1 to i32
            %cond3A_335 = arith.constant 0 : i32
            %cond3A_336 = arith.cmpi ne, %convert_element_type3A_334, %cond3A_335 : i32
            scf.if %cond3A_336 {
              %mul3A_400 = arith.constant 16 : i32
              %mul3A_401 = arith.muli %scan3A_209, %mul3A_400 : i32
              %add3A_402 = arith.constant 6 : i32
              %add3A_403 = arith.addi %mul3A_401, %add3A_402 : i32
              %swap3A = arith.index_cast %add3A_403 : i32 to index
              %swap3A_404 = arith.constant 0 : index
              %swap3A_405 = tpu.vector_load %arg7[%swap3A, %swap3A_404] {strides = array<i32>} : memref<400x128xf32, #tpu.memory_space<vmem>>, vector<1x16xf32>,
              %swap3A_406 = vector.shape_cast %swap3A_405 : vector<1x16xf32> to vector<16xf32>
              %swap3A_407 = vector.shape_cast %broadcast_in_dim3A_202 : vector<16xf32> to vector<1x16xf32>
              tpu.vector_store %arg7[%swap3A, %swap3A_404], %swap3A_407 {strides = array<i32>} : memref<400x128xf32, #tpu.memory_space<vmem>>, vector<1x16xf32>,
              %swap3A_408 = arith.index_cast %add3A_403 : i32 to index
              %swap3A_409 = arith.constant 16 : index
              %swap3A_410 = tpu.vector_load %arg7[%swap3A_408, %swap3A_409] {strides = array<i32>} : memref<400x128xf32, #tpu.memory_space<vmem>>, vector<1x16xf32>,
              %swap3A_411 = vector.shape_cast %swap3A_410 : vector<1x16xf32> to vector<16xf32>
              %swap3A_412 = vector.shape_cast %broadcast_in_dim3A_202 : vector<16xf32> to vector<1x16xf32>
              tpu.vector_store %arg7[%swap3A_408, %swap3A_409], %swap3A_412 {strides = array<i32>} : memref<400x128xf32, #tpu.memory_space<vmem>>, vector<1x16xf32>,
            } else {
            }
            %slice3A_337 = vector.extract_strided_slice %get3A_213 {offsets = [7], sizes = [1], strides = [1]} : vector<16xi32> to vector<1xi32>
            %squeeze3A_338 = vector.extract %slice3A_337[0] : i32 from vector<1xi32>
            %eq3A_339 = arith.constant 999999 : i32
            %eq3A_340 = arith.cmpi eq, %squeeze3A_338, %eq3A_339 : i32
            %convert_element_type3A_341 = arith.extui %eq3A_340 : i1 to i32
            %cond3A_342 = arith.constant 0 : i32
            %cond3A_343 = arith.cmpi ne, %convert_element_type3A_341, %cond3A_342 : i32
            scf.if %cond3A_343 {
              %mul3A_400 = arith.constant 16 : i32
              %mul3A_401 = arith.muli %scan3A_209, %mul3A_400 : i32
              %add3A_402 = arith.constant 7 : i32
              %add3A_403 = arith.addi %mul3A_401, %add3A_402 : i32
              %swap3A = arith.index_cast %add3A_403 : i32 to index
              %swap3A_404 = arith.constant 0 : index
              %swap3A_405 = tpu.vector_load %arg7[%swap3A, %swap3A_404] {strides = array<i32>} : memref<400x128xf32, #tpu.memory_space<vmem>>, vector<1x16xf32>,
              %swap3A_406 = vector.shape_cast %swap3A_405 : vector<1x16xf32> to vector<16xf32>
              %swap3A_407 = vector.shape_cast %broadcast_in_dim3A_202 : vector<16xf32> to vector<1x16xf32>
              tpu.vector_store %arg7[%swap3A, %swap3A_404], %swap3A_407 {strides = array<i32>} : memref<400x128xf32, #tpu.memory_space<vmem>>, vector<1x16xf32>,
              %swap3A_408 = arith.index_cast %add3A_403 : i32 to index
              %swap3A_409 = arith.constant 16 : index
              %swap3A_410 = tpu.vector_load %arg7[%swap3A_408, %swap3A_409] {strides = array<i32>} : memref<400x128xf32, #tpu.memory_space<vmem>>, vector<1x16xf32>,
              %swap3A_411 = vector.shape_cast %swap3A_410 : vector<1x16xf32> to vector<16xf32>
              %swap3A_412 = vector.shape_cast %broadcast_in_dim3A_202 : vector<16xf32> to vector<1x16xf32>
              tpu.vector_store %arg7[%swap3A_408, %swap3A_409], %swap3A_412 {strides = array<i32>} : memref<400x128xf32, #tpu.memory_space<vmem>>, vector<1x16xf32>,
            } else {
            }
            %slice3A_344 = vector.extract_strided_slice %get3A_213 {offsets = [8], sizes = [1], strides = [1]} : vector<16xi32> to vector<1xi32>
            %squeeze3A_345 = vector.extract %slice3A_344[0] : i32 from vector<1xi32>
            %eq3A_346 = arith.constant 999999 : i32
            %eq3A_347 = arith.cmpi eq, %squeeze3A_345, %eq3A_346 : i32
            %convert_element_type3A_348 = arith.extui %eq3A_347 : i1 to i32
            %cond3A_349 = arith.constant 0 : i32
            %cond3A_350 = arith.cmpi ne, %convert_element_type3A_348, %cond3A_349 : i32
            scf.if %cond3A_350 {
              %mul3A_400 = arith.constant 16 : i32
              %mul3A_401 = arith.muli %scan3A_209, %mul3A_400 : i32
              %add3A_402 = arith.constant 8 : i32
              %add3A_403 = arith.addi %mul3A_401, %add3A_402 : i32
              %swap3A = arith.index_cast %add3A_403 : i32 to index
              %swap3A_404 = arith.constant 0 : index
              %swap3A_405 = tpu.vector_load %arg7[%swap3A, %swap3A_404] {strides = array<i32>} : memref<400x128xf32, #tpu.memory_space<vmem>>, vector<1x16xf32>,
              %swap3A_406 = vector.shape_cast %swap3A_405 : vector<1x16xf32> to vector<16xf32>
              %swap3A_407 = vector.shape_cast %broadcast_in_dim3A_202 : vector<16xf32> to vector<1x16xf32>
              tpu.vector_store %arg7[%swap3A, %swap3A_404], %swap3A_407 {strides = array<i32>} : memref<400x128xf32, #tpu.memory_space<vmem>>, vector<1x16xf32>,
              %swap3A_408 = arith.index_cast %add3A_403 : i32 to index
              %swap3A_409 = arith.constant 16 : index
              %swap3A_410 = tpu.vector_load %arg7[%swap3A_408, %swap3A_409] {strides = array<i32>} : memref<400x128xf32, #tpu.memory_space<vmem>>, vector<1x16xf32>,
              %swap3A_411 = vector.shape_cast %swap3A_410 : vector<1x16xf32> to vector<16xf32>
              %swap3A_412 = vector.shape_cast %broadcast_in_dim3A_202 : vector<16xf32> to vector<1x16xf32>
              tpu.vector_store %arg7[%swap3A_408, %swap3A_409], %swap3A_412 {strides = array<i32>} : memref<400x128xf32, #tpu.memory_space<vmem>>, vector<1x16xf32>,
            } else {
            }
            %slice3A_351 = vector.extract_strided_slice %get3A_213 {offsets = [9], sizes = [1], strides = [1]} : vector<16xi32> to vector<1xi32>
            %squeeze3A_352 = vector.extract %slice3A_351[0] : i32 from vector<1xi32>
            %eq3A_353 = arith.constant 999999 : i32
            %eq3A_354 = arith.cmpi eq, %squeeze3A_352, %eq3A_353 : i32
            %convert_element_type3A_355 = arith.extui %eq3A_354 : i1 to i32
            %cond3A_356 = arith.constant 0 : i32
            %cond3A_357 = arith.cmpi ne, %convert_element_type3A_355, %cond3A_356 : i32
            scf.if %cond3A_357 {
              %mul3A_400 = arith.constant 16 : i32
              %mul3A_401 = arith.muli %scan3A_209, %mul3A_400 : i32
              %add3A_402 = arith.constant 9 : i32
              %add3A_403 = arith.addi %mul3A_401, %add3A_402 : i32
              %swap3A = arith.index_cast %add3A_403 : i32 to index
              %swap3A_404 = arith.constant 0 : index
              %swap3A_405 = tpu.vector_load %arg7[%swap3A, %swap3A_404] {strides = array<i32>} : memref<400x128xf32, #tpu.memory_space<vmem>>, vector<1x16xf32>,
              %swap3A_406 = vector.shape_cast %swap3A_405 : vector<1x16xf32> to vector<16xf32>
              %swap3A_407 = vector.shape_cast %broadcast_in_dim3A_202 : vector<16xf32> to vector<1x16xf32>
              tpu.vector_store %arg7[%swap3A, %swap3A_404], %swap3A_407 {strides = array<i32>} : memref<400x128xf32, #tpu.memory_space<vmem>>, vector<1x16xf32>,
              %swap3A_408 = arith.index_cast %add3A_403 : i32 to index
              %swap3A_409 = arith.constant 16 : index
              %swap3A_410 = tpu.vector_load %arg7[%swap3A_408, %swap3A_409] {strides = array<i32>} : memref<400x128xf32, #tpu.memory_space<vmem>>, vector<1x16xf32>,
              %swap3A_411 = vector.shape_cast %swap3A_410 : vector<1x16xf32> to vector<16xf32>
              %swap3A_412 = vector.shape_cast %broadcast_in_dim3A_202 : vector<16xf32> to vector<1x16xf32>
              tpu.vector_store %arg7[%swap3A_408, %swap3A_409], %swap3A_412 {strides = array<i32>} : memref<400x128xf32, #tpu.memory_space<vmem>>, vector<1x16xf32>,
            } else {
            }
            %slice3A_358 = vector.extract_strided_slice %get3A_213 {offsets = [10], sizes = [1], strides = [1]} : vector<16xi32> to vector<1xi32>
            %squeeze3A_359 = vector.extract %slice3A_358[0] : i32 from vector<1xi32>
            %eq3A_360 = arith.constant 999999 : i32
            %eq3A_361 = arith.cmpi eq, %squeeze3A_359, %eq3A_360 : i32
            %convert_element_type3A_362 = arith.extui %eq3A_361 : i1 to i32
            %cond3A_363 = arith.constant 0 : i32
            %cond3A_364 = arith.cmpi ne, %convert_element_type3A_362, %cond3A_363 : i32
            scf.if %cond3A_364 {
              %mul3A_400 = arith.constant 16 : i32
              %mul3A_401 = arith.muli %scan3A_209, %mul3A_400 : i32
              %add3A_402 = arith.constant 10 : i32
              %add3A_403 = arith.addi %mul3A_401, %add3A_402 : i32
              %swap3A = arith.index_cast %add3A_403 : i32 to index
              %swap3A_404 = arith.constant 0 : index
              %swap3A_405 = tpu.vector_load %arg7[%swap3A, %swap3A_404] {strides = array<i32>} : memref<400x128xf32, #tpu.memory_space<vmem>>, vector<1x16xf32>,
              %swap3A_406 = vector.shape_cast %swap3A_405 : vector<1x16xf32> to vector<16xf32>
              %swap3A_407 = vector.shape_cast %broadcast_in_dim3A_202 : vector<16xf32> to vector<1x16xf32>
              tpu.vector_store %arg7[%swap3A, %swap3A_404], %swap3A_407 {strides = array<i32>} : memref<400x128xf32, #tpu.memory_space<vmem>>, vector<1x16xf32>,
              %swap3A_408 = arith.index_cast %add3A_403 : i32 to index
              %swap3A_409 = arith.constant 16 : index
              %swap3A_410 = tpu.vector_load %arg7[%swap3A_408, %swap3A_409] {strides = array<i32>} : memref<400x128xf32, #tpu.memory_space<vmem>>, vector<1x16xf32>,
              %swap3A_411 = vector.shape_cast %swap3A_410 : vector<1x16xf32> to vector<16xf32>
              %swap3A_412 = vector.shape_cast %broadcast_in_dim3A_202 : vector<16xf32> to vector<1x16xf32>
              tpu.vector_store %arg7[%swap3A_408, %swap3A_409], %swap3A_412 {strides = array<i32>} : memref<400x128xf32, #tpu.memory_space<vmem>>, vector<1x16xf32>,
            } else {
            }
            %slice3A_365 = vector.extract_strided_slice %get3A_213 {offsets = [11], sizes = [1], strides = [1]} : vector<16xi32> to vector<1xi32>
            %squeeze3A_366 = vector.extract %slice3A_365[0] : i32 from vector<1xi32>
            %eq3A_367 = arith.constant 999999 : i32
            %eq3A_368 = arith.cmpi eq, %squeeze3A_366, %eq3A_367 : i32
            %convert_element_type3A_369 = arith.extui %eq3A_368 : i1 to i32
            %cond3A_370 = arith.constant 0 : i32
            %cond3A_371 = arith.cmpi ne, %convert_element_type3A_369, %cond3A_370 : i32
            scf.if %cond3A_371 {
              %mul3A_400 = arith.constant 16 : i32
              %mul3A_401 = arith.muli %scan3A_209, %mul3A_400 : i32
              %add3A_402 = arith.constant 11 : i32
              %add3A_403 = arith.addi %mul3A_401, %add3A_402 : i32
              %swap3A = arith.index_cast %add3A_403 : i32 to index
              %swap3A_404 = arith.constant 0 : index
              %swap3A_405 = tpu.vector_load %arg7[%swap3A, %swap3A_404] {strides = array<i32>} : memref<400x128xf32, #tpu.memory_space<vmem>>, vector<1x16xf32>,
              %swap3A_406 = vector.shape_cast %swap3A_405 : vector<1x16xf32> to vector<16xf32>
              %swap3A_407 = vector.shape_cast %broadcast_in_dim3A_202 : vector<16xf32> to vector<1x16xf32>
              tpu.vector_store %arg7[%swap3A, %swap3A_404], %swap3A_407 {strides = array<i32>} : memref<400x128xf32, #tpu.memory_space<vmem>>, vector<1x16xf32>,
              %swap3A_408 = arith.index_cast %add3A_403 : i32 to index
              %swap3A_409 = arith.constant 16 : index
              %swap3A_410 = tpu.vector_load %arg7[%swap3A_408, %swap3A_409] {strides = array<i32>} : memref<400x128xf32, #tpu.memory_space<vmem>>, vector<1x16xf32>,
              %swap3A_411 = vector.shape_cast %swap3A_410 : vector<1x16xf32> to vector<16xf32>
              %swap3A_412 = vector.shape_cast %broadcast_in_dim3A_202 : vector<16xf32> to vector<1x16xf32>
              tpu.vector_store %arg7[%swap3A_408, %swap3A_409], %swap3A_412 {strides = array<i32>} : memref<400x128xf32, #tpu.memory_space<vmem>>, vector<1x16xf32>,
            } else {
            }
            %slice3A_372 = vector.extract_strided_slice %get3A_213 {offsets = [12], sizes = [1], strides = [1]} : vector<16xi32> to vector<1xi32>
            %squeeze3A_373 = vector.extract %slice3A_372[0] : i32 from vector<1xi32>
            %eq3A_374 = arith.constant 999999 : i32
            %eq3A_375 = arith.cmpi eq, %squeeze3A_373, %eq3A_374 : i32
            %convert_element_type3A_376 = arith.extui %eq3A_375 : i1 to i32
            %cond3A_377 = arith.constant 0 : i32
            %cond3A_378 = arith.cmpi ne, %convert_element_type3A_376, %cond3A_377 : i32
            scf.if %cond3A_378 {
              %mul3A_400 = arith.constant 16 : i32
              %mul3A_401 = arith.muli %scan3A_209, %mul3A_400 : i32
              %add3A_402 = arith.constant 12 : i32
              %add3A_403 = arith.addi %mul3A_401, %add3A_402 : i32
              %swap3A = arith.index_cast %add3A_403 : i32 to index
              %swap3A_404 = arith.constant 0 : index
              %swap3A_405 = tpu.vector_load %arg7[%swap3A, %swap3A_404] {strides = array<i32>} : memref<400x128xf32, #tpu.memory_space<vmem>>, vector<1x16xf32>,
              %swap3A_406 = vector.shape_cast %swap3A_405 : vector<1x16xf32> to vector<16xf32>
              %swap3A_407 = vector.shape_cast %broadcast_in_dim3A_202 : vector<16xf32> to vector<1x16xf32>
              tpu.vector_store %arg7[%swap3A, %swap3A_404], %swap3A_407 {strides = array<i32>} : memref<400x128xf32, #tpu.memory_space<vmem>>, vector<1x16xf32>,
              %swap3A_408 = arith.index_cast %add3A_403 : i32 to index
              %swap3A_409 = arith.constant 16 : index
              %swap3A_410 = tpu.vector_load %arg7[%swap3A_408, %swap3A_409] {strides = array<i32>} : memref<400x128xf32, #tpu.memory_space<vmem>>, vector<1x16xf32>,
              %swap3A_411 = vector.shape_cast %swap3A_410 : vector<1x16xf32> to vector<16xf32>
              %swap3A_412 = vector.shape_cast %broadcast_in_dim3A_202 : vector<16xf32> to vector<1x16xf32>
              tpu.vector_store %arg7[%swap3A_408, %swap3A_409], %swap3A_412 {strides = array<i32>} : memref<400x128xf32, #tpu.memory_space<vmem>>, vector<1x16xf32>,
            } else {
            }
            %slice3A_379 = vector.extract_strided_slice %get3A_213 {offsets = [13], sizes = [1], strides = [1]} : vector<16xi32> to vector<1xi32>
            %squeeze3A_380 = vector.extract %slice3A_379[0] : i32 from vector<1xi32>
            %eq3A_381 = arith.constant 999999 : i32
            %eq3A_382 = arith.cmpi eq, %squeeze3A_380, %eq3A_381 : i32
            %convert_element_type3A_383 = arith.extui %eq3A_382 : i1 to i32
            %cond3A_384 = arith.constant 0 : i32
            %cond3A_385 = arith.cmpi ne, %convert_element_type3A_383, %cond3A_384 : i32
            scf.if %cond3A_385 {
              %mul3A_400 = arith.constant 16 : i32
              %mul3A_401 = arith.muli %scan3A_209, %mul3A_400 : i32
              %add3A_402 = arith.constant 13 : i32
              %add3A_403 = arith.addi %mul3A_401, %add3A_402 : i32
              %swap3A = arith.index_cast %add3A_403 : i32 to index
              %swap3A_404 = arith.constant 0 : index
              %swap3A_405 = tpu.vector_load %arg7[%swap3A, %swap3A_404] {strides = array<i32>} : memref<400x128xf32, #tpu.memory_space<vmem>>, vector<1x16xf32>,
              %swap3A_406 = vector.shape_cast %swap3A_405 : vector<1x16xf32> to vector<16xf32>
              %swap3A_407 = vector.shape_cast %broadcast_in_dim3A_202 : vector<16xf32> to vector<1x16xf32>
              tpu.vector_store %arg7[%swap3A, %swap3A_404], %swap3A_407 {strides = array<i32>} : memref<400x128xf32, #tpu.memory_space<vmem>>, vector<1x16xf32>,
              %swap3A_408 = arith.index_cast %add3A_403 : i32 to index
              %swap3A_409 = arith.constant 16 : index
              %swap3A_410 = tpu.vector_load %arg7[%swap3A_408, %swap3A_409] {strides = array<i32>} : memref<400x128xf32, #tpu.memory_space<vmem>>, vector<1x16xf32>,
              %swap3A_411 = vector.shape_cast %swap3A_410 : vector<1x16xf32> to vector<16xf32>
              %swap3A_412 = vector.shape_cast %broadcast_in_dim3A_202 : vector<16xf32> to vector<1x16xf32>
              tpu.vector_store %arg7[%swap3A_408, %swap3A_409], %swap3A_412 {strides = array<i32>} : memref<400x128xf32, #tpu.memory_space<vmem>>, vector<1x16xf32>,
            } else {
            }
            %slice3A_386 = vector.extract_strided_slice %get3A_213 {offsets = [14], sizes = [1], strides = [1]} : vector<16xi32> to vector<1xi32>
            %squeeze3A_387 = vector.extract %slice3A_386[0] : i32 from vector<1xi32>
            %eq3A_388 = arith.constant 999999 : i32
            %eq3A_389 = arith.cmpi eq, %squeeze3A_387, %eq3A_388 : i32
            %convert_element_type3A_390 = arith.extui %eq3A_389 : i1 to i32
            %cond3A_391 = arith.constant 0 : i32
            %cond3A_392 = arith.cmpi ne, %convert_element_type3A_390, %cond3A_391 : i32
            scf.if %cond3A_392 {
              %mul3A_400 = arith.constant 16 : i32
              %mul3A_401 = arith.muli %scan3A_209, %mul3A_400 : i32
              %add3A_402 = arith.constant 14 : i32
              %add3A_403 = arith.addi %mul3A_401, %add3A_402 : i32
              %swap3A = arith.index_cast %add3A_403 : i32 to index
              %swap3A_404 = arith.constant 0 : index
              %swap3A_405 = tpu.vector_load %arg7[%swap3A, %swap3A_404] {strides = array<i32>} : memref<400x128xf32, #tpu.memory_space<vmem>>, vector<1x16xf32>,
              %swap3A_406 = vector.shape_cast %swap3A_405 : vector<1x16xf32> to vector<16xf32>
              %swap3A_407 = vector.shape_cast %broadcast_in_dim3A_202 : vector<16xf32> to vector<1x16xf32>
              tpu.vector_store %arg7[%swap3A, %swap3A_404], %swap3A_407 {strides = array<i32>} : memref<400x128xf32, #tpu.memory_space<vmem>>, vector<1x16xf32>,
              %swap3A_408 = arith.index_cast %add3A_403 : i32 to index
              %swap3A_409 = arith.constant 16 : index
              %swap3A_410 = tpu.vector_load %arg7[%swap3A_408, %swap3A_409] {strides = array<i32>} : memref<400x128xf32, #tpu.memory_space<vmem>>, vector<1x16xf32>,
              %swap3A_411 = vector.shape_cast %swap3A_410 : vector<1x16xf32> to vector<16xf32>
              %swap3A_412 = vector.shape_cast %broadcast_in_dim3A_202 : vector<16xf32> to vector<1x16xf32>
              tpu.vector_store %arg7[%swap3A_408, %swap3A_409], %swap3A_412 {strides = array<i32>} : memref<400x128xf32, #tpu.memory_space<vmem>>, vector<1x16xf32>,
            } else {
            }
            %slice3A_393 = vector.extract_strided_slice %get3A_213 {offsets = [15], sizes = [1], strides = [1]} : vector<16xi32> to vector<1xi32>
            %squeeze3A_394 = vector.extract %slice3A_393[0] : i32 from vector<1xi32>
            %eq3A_395 = arith.constant 999999 : i32
            %eq3A_396 = arith.cmpi eq, %squeeze3A_394, %eq3A_395 : i32
            %convert_element_type3A_397 = arith.extui %eq3A_396 : i1 to i32
            %cond3A_398 = arith.constant 0 : i32
            %cond3A_399 = arith.cmpi ne, %convert_element_type3A_397, %cond3A_398 : i32
            scf.if %cond3A_399 {
              %mul3A_400 = arith.constant 16 : i32
              %mul3A_401 = arith.muli %scan3A_209, %mul3A_400 : i32
              %add3A_402 = arith.constant 15 : i32
              %add3A_403 = arith.addi %mul3A_401, %add3A_402 : i32
              %swap3A = arith.index_cast %add3A_403 : i32 to index
              %swap3A_404 = arith.constant 0 : index
              %swap3A_405 = tpu.vector_load %arg7[%swap3A, %swap3A_404] {strides = array<i32>} : memref<400x128xf32, #tpu.memory_space<vmem>>, vector<1x16xf32>,
              %swap3A_406 = vector.shape_cast %swap3A_405 : vector<1x16xf32> to vector<16xf32>
              %swap3A_407 = vector.shape_cast %broadcast_in_dim3A_202 : vector<16xf32> to vector<1x16xf32>
              tpu.vector_store %arg7[%swap3A, %swap3A_404], %swap3A_407 {strides = array<i32>} : memref<400x128xf32, #tpu.memory_space<vmem>>, vector<1x16xf32>,
              %swap3A_408 = arith.index_cast %add3A_403 : i32 to index
              %swap3A_409 = arith.constant 16 : index
              %swap3A_410 = tpu.vector_load %arg7[%swap3A_408, %swap3A_409] {strides = array<i32>} : memref<400x128xf32, #tpu.memory_space<vmem>>, vector<1x16xf32>,
              %swap3A_411 = vector.shape_cast %swap3A_410 : vector<1x16xf32> to vector<16xf32>
              %swap3A_412 = vector.shape_cast %broadcast_in_dim3A_202 : vector<16xf32> to vector<1x16xf32>
              tpu.vector_store %arg7[%swap3A_408, %swap3A_409], %swap3A_412 {strides = array<i32>} : memref<400x128xf32, #tpu.memory_space<vmem>>, vector<1x16xf32>,
            } else {
            }
          } else {
          }
        }
        %scan3A_208 = arith.constant 25 : i32
      } else {
      }
      %not3A = arith.constant true
      %not3A_93 = arith.xori %eq3A_20, %not3A : i1
      %convert_element_type3A_94 = arith.extui %not3A_93 : i1 to i32
      %cond3A_95 = arith.constant 0 : i32
      %cond3A_96 = arith.cmpi ne, %convert_element_type3A_94, %cond3A_95 : i32
      scf.if %cond3A_96 {
        %dma_wait3A_201 = arith.constant 0 : i32
        %dma_wait3A_202 = tpu.memref_slice %arg4[%multiple_of3A_24, %dma_wait3A_201] : memref<819200x128xf32, #tpu.memory_space<hbm>> -> memref<400x128xf32, #tpu.memory_space<hbm>>
        %dma_wait3A_203 = arith.constant 0 : i32
        %dma_wait3A_204 = tpu.memref_slice %arg4[%multiple_of3A_24, %dma_wait3A_203] : memref<819200x128xf32, #tpu.memory_space<hbm>> -> memref<400x128xf32, #tpu.memory_space<hbm>>
        tpu.wait_dma2 semaphore(%arg10 : memref<!tpu.dma_semaphore, #tpu.memory_space<semaphore_mem>>) src(%arg7 : memref<400x128xf32, #tpu.memory_space<vmem>>) dst(%dma_wait3A_204 : memref<400x128xf32, #tpu.memory_space<hbm>>)
      } else {
      }
      %dma_start3A_97 = arith.constant 0 : i32
      %dma_start3A_98 = tpu.memref_slice %arg4[%multiple_of3A_24, %dma_start3A_97] : memref<819200x128xf32, #tpu.memory_space<hbm>> -> memref<400x128xf32, #tpu.memory_space<hbm>>
      %dma_start3A_99 = arith.constant 0 : i32
      %dma_start3A_100 = tpu.memref_slice %arg4[%multiple_of3A_24, %dma_start3A_99] : memref<819200x128xf32, #tpu.memory_space<hbm>> -> memref<400x128xf32, #tpu.memory_space<hbm>>
      tpu.enqueue_dma source(%arg7 : memref<400x128xf32, #tpu.memory_space<vmem>>) target(%dma_start3A_100 : memref<400x128xf32, #tpu.memory_space<hbm>>) target_semaphore(%arg10 : memref<!tpu.dma_semaphore, #tpu.memory_space<semaphore_mem>>)
      %mul3A_101 = arith.constant 2 : i32
      %mul3A_102 = arith.muli %scan3A_15, %mul3A_101 : i32
      %add3A_103 = arith.constant 1 : i32
      %add3A_104 = arith.addi %mul3A_102, %add3A_103 : i32
      %eq3A_105 = arith.constant 0 : i32
      %eq3A_106 = arith.cmpi eq, %scan3A_15, %eq3A_105 : i32
      %mul3A_107 = arith.constant 400 : i32
      %mul3A_108 = arith.muli %add3A_104, %mul3A_107 : i32
      %add3A_109 = arith.addi %mul3A_2, %mul3A_108 : i32
      %multiple_of3A_110 = tpu.assume_multiple %add3A_109, 8 : i32
      "tpu.region"() ({
        %run_scoped3A = tpu.sem_alloc : memref<!tpu.dma_semaphore, #tpu.memory_space<semaphore_mem>>
        %dma_start3A_201 = tpu.memref_slice %arg2[%multiple_of3A_110] : memref<819200xi32, #tpu.memory_space<hbm>> -> memref<400xi32, #tpu.memory_space<hbm>>
        %dma_start3A_202 = tpu.memref_slice %arg2[%multiple_of3A_110] : memref<819200xi32, #tpu.memory_space<hbm>> -> memref<400xi32, #tpu.memory_space<hbm>>
        tpu.enqueue_dma source(%dma_start3A_202 : memref<400xi32, #tpu.memory_space<hbm>>) target(%arg6 : memref<400xi32, #tpu.memory_space<vmem>>) target_semaphore(%run_scoped3A : memref<!tpu.dma_semaphore, #tpu.memory_space<semaphore_mem>>)
        %dma_wait3A_203 = tpu.memref_slice %arg2[%multiple_of3A_110] : memref<819200xi32, #tpu.memory_space<hbm>> -> memref<400xi32, #tpu.memory_space<hbm>>
        %dma_wait3A_204 = tpu.memref_slice %arg2[%multiple_of3A_110] : memref<819200xi32, #tpu.memory_space<hbm>> -> memref<400xi32, #tpu.memory_space<hbm>>
        tpu.wait_dma2 semaphore(%run_scoped3A : memref<!tpu.dma_semaphore, #tpu.memory_space<semaphore_mem>>) src(%dma_wait3A_204 : memref<400xi32, #tpu.memory_space<hbm>>) dst(%arg6 : memref<400xi32, #tpu.memory_space<vmem>>)
        tpu.yield
      }) : () -> ()
      %dma_start3A_111 = arith.constant 0 : i32
      %dma_start3A_112 = arith.constant 0 : i32
      %dma_start3A_113 = tpu.memref_slice %arg3[%dma_start3A_111, %dma_start3A_112] : memref<1000000x128xf32, #tpu.memory_space<hbm>> -> memref<1000000x128xf32, #tpu.memory_space<hbm>>
      tpu.enqueue_indirect_dma source(%dma_start3A_113 : memref<1000000x128xf32, #tpu.memory_space<hbm>>) target(%arg8 : memref<400x128xf32, #tpu.memory_space<vmem>>) offsets(%arg6 : memref<400xi32, #tpu.memory_space<vmem>>) semaphore(%arg9 : memref<!tpu.dma_semaphore, #tpu.memory_space<semaphore_mem>>)
      %broadcast_in_dim3A_114 = arith.constant 0 : i32
      %broadcast_in_dim3A_115 = vector.broadcast %broadcast_in_dim3A_114 : i32 to vector<16xi32>
      %scan3A_116 = arith.constant 0 : i32
      %scan3A_117 = arith.constant 25 : i32
      %scan3A_118 = arith.addi %scan3A_116, %scan3A_117 : i32
      %scan3A_119 = arith.constant 1 : i32
      %scan3A_120 = scf.for %scan3A_201 = %scan3A_116 to %scan3A_118 step %scan3A_119 iter_args(%scan3A_202 = %broadcast_in_dim3A_115) -> (vector<16xi32>)  : i32 {
        %mul3A_203 = arith.constant 16 : i32
        %mul3A_204 = arith.muli %scan3A_201, %mul3A_203 : i32
        %get3A = arith.index_cast %mul3A_204 : i32 to index
        %get3A_205 = tpu.vector_load %arg6[%get3A] {strides = array<i32>} : memref<400xi32, #tpu.memory_space<vmem>>, vector<16xi32>,
        %get3A_206 = vector.shape_cast %get3A_205 : vector<16xi32> to vector<16xi32>
        %eq3A_207 = arith.constant 999999 : i32
        %eq3A_208 = vector.broadcast %eq3A_207 : i32 to vector<16xi32>
        %eq3A_209 = arith.cmpi eq, %get3A_206, %eq3A_208 : vector<16xi32>
        %jit3A = arith.constant 1 : i32
        %jit3A_210 = arith.constant 0 : i32
        %broadcast_in_dim3A_211 = vector.broadcast %jit3A : i32 to vector<16xi32>
        %broadcast_in_dim3A_212 = vector.broadcast %jit3A_210 : i32 to vector<16xi32>
        %select_n3A_213 = arith.select %eq3A_209, %broadcast_in_dim3A_211, %broadcast_in_dim3A_212 : vector<16xi1>, vector<16xi32>
        %or3A_214 = arith.ori %scan3A_202, %select_n3A_213 : vector<16xi32>
        scf.yield %or3A_214 : vector<16xi32>
      }
      %scan3A_121 = arith.constant 25 : i32
      %iota3A_122 = tpu.iota {dimensions = array<i32: 0>} : vector<16xi32>
      %xor3A_123 = arith.constant 8 : i32
      %xor3A_124 = vector.broadcast %xor3A_123 : i32 to vector<16xi32>
      %xor3A_125 = arith.xori %iota3A_122, %xor3A_124 : vector<16xi32>
      %lt3A_126 = arith.constant 0 : i32
      %lt3A_127 = vector.broadcast %lt3A_126 : i32 to vector<16xi32>
      %lt3A_128 = arith.cmpi slt, %xor3A_125, %lt3A_127 : vector<16xi32>
      %add3A_129 = arith.constant 16 : i32
      %add3A_130 = vector.broadcast %add3A_129 : i32 to vector<16xi32>
      %add3A_131 = arith.addi %xor3A_125, %add3A_130 : vector<16xi32>
      %select_n3A_132 = arith.select %lt3A_128, %add3A_131, %xor3A_125 : vector<16xi1>, vector<16xi32>
      %broadcast_in_dim3A_133 = vector.shape_cast %select_n3A_132 : vector<16xi32> to vector<16x1xi32>
      %gather3A_134 = vector.shape_cast %broadcast_in_dim3A_133 : vector<16x1xi32> to vector<16xi32>
      %gather3A_135 = tpu.dynamic_gather %scan3A_120[%gather3A_134] in [0] : vector<16xi32>, vector<16xi32> -> vector<16xi32>
      %or3A_136 = arith.ori %scan3A_120, %gather3A_135 : vector<16xi32>
      %iota3A_137 = tpu.iota {dimensions = array<i32: 0>} : vector<16xi32>
      %xor3A_138 = arith.constant 4 : i32
      %xor3A_139 = vector.broadcast %xor3A_138 : i32 to vector<16xi32>
      %xor3A_140 = arith.xori %iota3A_137, %xor3A_139 : vector<16xi32>
      %lt3A_141 = arith.constant 0 : i32
      %lt3A_142 = vector.broadcast %lt3A_141 : i32 to vector<16xi32>
      %lt3A_143 = arith.cmpi slt, %xor3A_140, %lt3A_142 : vector<16xi32>
      %add3A_144 = arith.constant 16 : i32
      %add3A_145 = vector.broadcast %add3A_144 : i32 to vector<16xi32>
      %add3A_146 = arith.addi %xor3A_140, %add3A_145 : vector<16xi32>
      %select_n3A_147 = arith.select %lt3A_143, %add3A_146, %xor3A_140 : vector<16xi1>, vector<16xi32>
      %broadcast_in_dim3A_148 = vector.shape_cast %select_n3A_147 : vector<16xi32> to vector<16x1xi32>
      %gather3A_149 = vector.shape_cast %broadcast_in_dim3A_148 : vector<16x1xi32> to vector<16xi32>
      %gather3A_150 = tpu.dynamic_gather %or3A_136[%gather3A_149] in [0] : vector<16xi32>, vector<16xi32> -> vector<16xi32>
      %or3A_151 = arith.ori %or3A_136, %gather3A_150 : vector<16xi32>
      %iota3A_152 = tpu.iota {dimensions = array<i32: 0>} : vector<16xi32>
      %xor3A_153 = arith.constant 2 : i32
      %xor3A_154 = vector.broadcast %xor3A_153 : i32 to vector<16xi32>
      %xor3A_155 = arith.xori %iota3A_152, %xor3A_154 : vector<16xi32>
      %lt3A_156 = arith.constant 0 : i32
      %lt3A_157 = vector.broadcast %lt3A_156 : i32 to vector<16xi32>
      %lt3A_158 = arith.cmpi slt, %xor3A_155, %lt3A_157 : vector<16xi32>
      %add3A_159 = arith.constant 16 : i32
      %add3A_160 = vector.broadcast %add3A_159 : i32 to vector<16xi32>
      %add3A_161 = arith.addi %xor3A_155, %add3A_160 : vector<16xi32>
      %select_n3A_162 = arith.select %lt3A_158, %add3A_161, %xor3A_155 : vector<16xi1>, vector<16xi32>
      %broadcast_in_dim3A_163 = vector.shape_cast %select_n3A_162 : vector<16xi32> to vector<16x1xi32>
      %gather3A_164 = vector.shape_cast %broadcast_in_dim3A_163 : vector<16x1xi32> to vector<16xi32>
      %gather3A_165 = tpu.dynamic_gather %or3A_151[%gather3A_164] in [0] : vector<16xi32>, vector<16xi32> -> vector<16xi32>
      %or3A_166 = arith.ori %or3A_151, %gather3A_165 : vector<16xi32>
      %iota3A_167 = tpu.iota {dimensions = array<i32: 0>} : vector<16xi32>
      %xor3A_168 = arith.constant 1 : i32
      %xor3A_169 = vector.broadcast %xor3A_168 : i32 to vector<16xi32>
      %xor3A_170 = arith.xori %iota3A_167, %xor3A_169 : vector<16xi32>
      %lt3A_171 = arith.constant 0 : i32
      %lt3A_172 = vector.broadcast %lt3A_171 : i32 to vector<16xi32>
      %lt3A_173 = arith.cmpi slt, %xor3A_170, %lt3A_172 : vector<16xi32>
      %add3A_174 = arith.constant 16 : i32
      %add3A_175 = vector.broadcast %add3A_174 : i32 to vector<16xi32>
      %add3A_176 = arith.addi %xor3A_170, %add3A_175 : vector<16xi32>
      %select_n3A_177 = arith.select %lt3A_173, %add3A_176, %xor3A_170 : vector<16xi1>, vector<16xi32>
      %broadcast_in_dim3A_178 = vector.shape_cast %select_n3A_177 : vector<16xi32> to vector<16x1xi32>
      %gather3A_179 = vector.shape_cast %broadcast_in_dim3A_178 : vector<16x1xi32> to vector<16xi32>
      %gather3A_180 = tpu.dynamic_gather %or3A_166[%gather3A_179] in [0] : vector<16xi32>, vector<16xi32> -> vector<16xi32>
      %or3A_181 = arith.ori %or3A_166, %gather3A_180 : vector<16xi32>
      %slice3A_182 = vector.extract_strided_slice %or3A_181 {offsets = [0], sizes = [1], strides = [1]} : vector<16xi32> to vector<1xi32>
      %squeeze3A_183 = vector.extract %slice3A_182[0] : i32 from vector<1xi32>
      %dma_wait3A_184 = arith.constant 0 : i32
      %dma_wait3A_185 = arith.constant 0 : i32
      %dma_wait3A_186 = tpu.memref_slice %arg3[%dma_wait3A_184, %dma_wait3A_185] : memref<1000000x128xf32, #tpu.memory_space<hbm>> -> memref<1000000x128xf32, #tpu.memory_space<hbm>>
      tpu.wait_indirect_dma semaphore(%arg9 : memref<!tpu.dma_semaphore, #tpu.memory_space<semaphore_mem>>) src(%dma_wait3A_186 : memref<1000000x128xf32, #tpu.memory_space<hbm>>) dst(%arg8 : memref<400x128xf32, #tpu.memory_space<vmem>>)
      %gt3A_187 = arith.constant 0 : i32
      %gt3A_188 = arith.cmpi sgt, %squeeze3A_183, %gt3A_187 : i32
      %convert_element_type3A_189 = arith.extui %gt3A_188 : i1 to i32
      %cond3A_190 = arith.constant 0 : i32
      %cond3A_191 = arith.cmpi ne, %convert_element_type3A_189, %cond3A_190 : i32
      scf.if %cond3A_191 {
        %broadcast_in_dim3A_201 = arith.constant 0.000000e+00 : f32
        %broadcast_in_dim3A_202 = vector.broadcast %broadcast_in_dim3A_201 : f32 to vector<16xf32>
        %scan3A_203 = arith.constant 0 : i32
        %scan3A_204 = arith.constant 0 : i32
        %scan3A_205 = arith.constant 25 : i32
        %scan3A_206 = arith.addi %scan3A_204, %scan3A_205 : i32
        %scan3A_207 = arith.constant 1 : i32
        scf.for %scan3A_209 = %scan3A_204 to %scan3A_206 step %scan3A_207  : i32 {
          %mul3A_210 = arith.constant 16 : i32
          %mul3A_211 = arith.muli %scan3A_209, %mul3A_210 : i32
          %get3A = arith.index_cast %mul3A_211 : i32 to index
          %get3A_212 = tpu.vector_load %arg6[%get3A] {strides = array<i32>} : memref<400xi32, #tpu.memory_space<vmem>>, vector<16xi32>,
          %get3A_213 = vector.shape_cast %get3A_212 : vector<16xi32> to vector<16xi32>
          %eq3A_214 = arith.constant 999999 : i32
          %eq3A_215 = vector.broadcast %eq3A_214 : i32 to vector<16xi32>
          %eq3A_216 = arith.cmpi eq, %get3A_213, %eq3A_215 : vector<16xi32>
          %jit3A = arith.constant 1 : i32
          %jit3A_217 = arith.constant 0 : i32
          %broadcast_in_dim3A_218 = vector.broadcast %jit3A : i32 to vector<16xi32>
          %broadcast_in_dim3A_219 = vector.broadcast %jit3A_217 : i32 to vector<16xi32>
          %select_n3A_220 = arith.select %eq3A_216, %broadcast_in_dim3A_218, %broadcast_in_dim3A_219 : vector<16xi1>, vector<16xi32>
          %iota3A_221 = tpu.iota {dimensions = array<i32: 0>} : vector<16xi32>
          %xor3A_222 = arith.constant 8 : i32
          %xor3A_223 = vector.broadcast %xor3A_222 : i32 to vector<16xi32>
          %xor3A_224 = arith.xori %iota3A_221, %xor3A_223 : vector<16xi32>
          %lt3A_225 = arith.constant 0 : i32
          %lt3A_226 = vector.broadcast %lt3A_225 : i32 to vector<16xi32>
          %lt3A_227 = arith.cmpi slt, %xor3A_224, %lt3A_226 : vector<16xi32>
          %add3A_228 = arith.constant 16 : i32
          %add3A_229 = vector.broadcast %add3A_228 : i32 to vector<16xi32>
          %add3A_230 = arith.addi %xor3A_224, %add3A_229 : vector<16xi32>
          %select_n3A_231 = arith.select %lt3A_227, %add3A_230, %xor3A_224 : vector<16xi1>, vector<16xi32>
          %broadcast_in_dim3A_232 = vector.shape_cast %select_n3A_231 : vector<16xi32> to vector<16x1xi32>
          %gather3A_233 = vector.shape_cast %broadcast_in_dim3A_232 : vector<16x1xi32> to vector<16xi32>
          %gather3A_234 = tpu.dynamic_gather %select_n3A_220[%gather3A_233] in [0] : vector<16xi32>, vector<16xi32> -> vector<16xi32>
          %or3A_235 = arith.ori %select_n3A_220, %gather3A_234 : vector<16xi32>
          %iota3A_236 = tpu.iota {dimensions = array<i32: 0>} : vector<16xi32>
          %xor3A_237 = arith.constant 4 : i32
          %xor3A_238 = vector.broadcast %xor3A_237 : i32 to vector<16xi32>
          %xor3A_239 = arith.xori %iota3A_236, %xor3A_238 : vector<16xi32>
          %lt3A_240 = arith.constant 0 : i32
          %lt3A_241 = vector.broadcast %lt3A_240 : i32 to vector<16xi32>
          %lt3A_242 = arith.cmpi slt, %xor3A_239, %lt3A_241 : vector<16xi32>
          %add3A_243 = arith.constant 16 : i32
          %add3A_244 = vector.broadcast %add3A_243 : i32 to vector<16xi32>
          %add3A_245 = arith.addi %xor3A_239, %add3A_244 : vector<16xi32>
          %select_n3A_246 = arith.select %lt3A_242, %add3A_245, %xor3A_239 : vector<16xi1>, vector<16xi32>
          %broadcast_in_dim3A_247 = vector.shape_cast %select_n3A_246 : vector<16xi32> to vector<16x1xi32>
          %gather3A_248 = vector.shape_cast %broadcast_in_dim3A_247 : vector<16x1xi32> to vector<16xi32>
          %gather3A_249 = tpu.dynamic_gather %or3A_235[%gather3A_248] in [0] : vector<16xi32>, vector<16xi32> -> vector<16xi32>
          %or3A_250 = arith.ori %or3A_235, %gather3A_249 : vector<16xi32>
          %iota3A_251 = tpu.iota {dimensions = array<i32: 0>} : vector<16xi32>
          %xor3A_252 = arith.constant 2 : i32
          %xor3A_253 = vector.broadcast %xor3A_252 : i32 to vector<16xi32>
          %xor3A_254 = arith.xori %iota3A_251, %xor3A_253 : vector<16xi32>
          %lt3A_255 = arith.constant 0 : i32
          %lt3A_256 = vector.broadcast %lt3A_255 : i32 to vector<16xi32>
          %lt3A_257 = arith.cmpi slt, %xor3A_254, %lt3A_256 : vector<16xi32>
          %add3A_258 = arith.constant 16 : i32
          %add3A_259 = vector.broadcast %add3A_258 : i32 to vector<16xi32>
          %add3A_260 = arith.addi %xor3A_254, %add3A_259 : vector<16xi32>
          %select_n3A_261 = arith.select %lt3A_257, %add3A_260, %xor3A_254 : vector<16xi1>, vector<16xi32>
          %broadcast_in_dim3A_262 = vector.shape_cast %select_n3A_261 : vector<16xi32> to vector<16x1xi32>
          %gather3A_263 = vector.shape_cast %broadcast_in_dim3A_262 : vector<16x1xi32> to vector<16xi32>
          %gather3A_264 = tpu.dynamic_gather %or3A_250[%gather3A_263] in [0] : vector<16xi32>, vector<16xi32> -> vector<16xi32>
          %or3A_265 = arith.ori %or3A_250, %gather3A_264 : vector<16xi32>
          %iota3A_266 = tpu.iota {dimensions = array<i32: 0>} : vector<16xi32>
          %xor3A_267 = arith.constant 1 : i32
          %xor3A_268 = vector.broadcast %xor3A_267 : i32 to vector<16xi32>
          %xor3A_269 = arith.xori %iota3A_266, %xor3A_268 : vector<16xi32>
          %lt3A_270 = arith.constant 0 : i32
          %lt3A_271 = vector.broadcast %lt3A_270 : i32 to vector<16xi32>
          %lt3A_272 = arith.cmpi slt, %xor3A_269, %lt3A_271 : vector<16xi32>
          %add3A_273 = arith.constant 16 : i32
          %add3A_274 = vector.broadcast %add3A_273 : i32 to vector<16xi32>
          %add3A_275 = arith.addi %xor3A_269, %add3A_274 : vector<16xi32>
          %select_n3A_276 = arith.select %lt3A_272, %add3A_275, %xor3A_269 : vector<16xi1>, vector<16xi32>
          %broadcast_in_dim3A_277 = vector.shape_cast %select_n3A_276 : vector<16xi32> to vector<16x1xi32>
          %gather3A_278 = vector.shape_cast %broadcast_in_dim3A_277 : vector<16x1xi32> to vector<16xi32>
          %gather3A_279 = tpu.dynamic_gather %or3A_265[%gather3A_278] in [0] : vector<16xi32>, vector<16xi32> -> vector<16xi32>
          %or3A_280 = arith.ori %or3A_265, %gather3A_279 : vector<16xi32>
          %slice3A_281 = vector.extract_strided_slice %or3A_280 {offsets = [0], sizes = [1], strides = [1]} : vector<16xi32> to vector<1xi32>
          %squeeze3A_282 = vector.extract %slice3A_281[0] : i32 from vector<1xi32>
          %gt3A_283 = arith.constant 0 : i32
          %gt3A_284 = arith.cmpi sgt, %squeeze3A_282, %gt3A_283 : i32
          %convert_element_type3A_285 = arith.extui %gt3A_284 : i1 to i32
          %cond3A_286 = arith.constant 0 : i32
          %cond3A_287 = arith.cmpi ne, %convert_element_type3A_285, %cond3A_286 : i32
          scf.if %cond3A_287 {
            %slice3A_288 = vector.extract_strided_slice %get3A_213 {offsets = [0], sizes = [1], strides = [1]} : vector<16xi32> to vector<1xi32>
            %squeeze3A_289 = vector.extract %slice3A_288[0] : i32 from vector<1xi32>
            %eq3A_290 = arith.constant 999999 : i32
            %eq3A_291 = arith.cmpi eq, %squeeze3A_289, %eq3A_290 : i32
            %convert_element_type3A_292 = arith.extui %eq3A_291 : i1 to i32
            %cond3A_293 = arith.constant 0 : i32
            %cond3A_294 = arith.cmpi ne, %convert_element_type3A_292, %cond3A_293 : i32
            scf.if %cond3A_294 {
              %mul3A_400 = arith.constant 16 : i32
              %mul3A_401 = arith.muli %scan3A_209, %mul3A_400 : i32
              %add3A_402 = arith.constant 0 : i32
              %add3A_403 = arith.addi %mul3A_401, %add3A_402 : i32
              %swap3A = arith.index_cast %add3A_403 : i32 to index
              %swap3A_404 = arith.constant 0 : index
              %swap3A_405 = tpu.vector_load %arg8[%swap3A, %swap3A_404] {strides = array<i32>} : memref<400x128xf32, #tpu.memory_space<vmem>>, vector<1x16xf32>,
              %swap3A_406 = vector.shape_cast %swap3A_405 : vector<1x16xf32> to vector<16xf32>
              %swap3A_407 = vector.shape_cast %broadcast_in_dim3A_202 : vector<16xf32> to vector<1x16xf32>
              tpu.vector_store %arg8[%swap3A, %swap3A_404], %swap3A_407 {strides = array<i32>} : memref<400x128xf32, #tpu.memory_space<vmem>>, vector<1x16xf32>,
              %swap3A_408 = arith.index_cast %add3A_403 : i32 to index
              %swap3A_409 = arith.constant 16 : index
              %swap3A_410 = tpu.vector_load %arg8[%swap3A_408, %swap3A_409] {strides = array<i32>} : memref<400x128xf32, #tpu.memory_space<vmem>>, vector<1x16xf32>,
              %swap3A_411 = vector.shape_cast %swap3A_410 : vector<1x16xf32> to vector<16xf32>
              %swap3A_412 = vector.shape_cast %broadcast_in_dim3A_202 : vector<16xf32> to vector<1x16xf32>
              tpu.vector_store %arg8[%swap3A_408, %swap3A_409], %swap3A_412 {strides = array<i32>} : memref<400x128xf32, #tpu.memory_space<vmem>>, vector<1x16xf32>,
            } else {
            }
            %slice3A_295 = vector.extract_strided_slice %get3A_213 {offsets = [1], sizes = [1], strides = [1]} : vector<16xi32> to vector<1xi32>
            %squeeze3A_296 = vector.extract %slice3A_295[0] : i32 from vector<1xi32>
            %eq3A_297 = arith.constant 999999 : i32
            %eq3A_298 = arith.cmpi eq, %squeeze3A_296, %eq3A_297 : i32
            %convert_element_type3A_299 = arith.extui %eq3A_298 : i1 to i32
            %cond3A_300 = arith.constant 0 : i32
            %cond3A_301 = arith.cmpi ne, %convert_element_type3A_299, %cond3A_300 : i32
            scf.if %cond3A_301 {
              %mul3A_400 = arith.constant 16 : i32
              %mul3A_401 = arith.muli %scan3A_209, %mul3A_400 : i32
              %add3A_402 = arith.constant 1 : i32
              %add3A_403 = arith.addi %mul3A_401, %add3A_402 : i32
              %swap3A = arith.index_cast %add3A_403 : i32 to index
              %swap3A_404 = arith.constant 0 : index
              %swap3A_405 = tpu.vector_load %arg8[%swap3A, %swap3A_404] {strides = array<i32>} : memref<400x128xf32, #tpu.memory_space<vmem>>, vector<1x16xf32>,
              %swap3A_406 = vector.shape_cast %swap3A_405 : vector<1x16xf32> to vector<16xf32>
              %swap3A_407 = vector.shape_cast %broadcast_in_dim3A_202 : vector<16xf32> to vector<1x16xf32>
              tpu.vector_store %arg8[%swap3A, %swap3A_404], %swap3A_407 {strides = array<i32>} : memref<400x128xf32, #tpu.memory_space<vmem>>, vector<1x16xf32>,
              %swap3A_408 = arith.index_cast %add3A_403 : i32 to index
              %swap3A_409 = arith.constant 16 : index
              %swap3A_410 = tpu.vector_load %arg8[%swap3A_408, %swap3A_409] {strides = array<i32>} : memref<400x128xf32, #tpu.memory_space<vmem>>, vector<1x16xf32>,
              %swap3A_411 = vector.shape_cast %swap3A_410 : vector<1x16xf32> to vector<16xf32>
              %swap3A_412 = vector.shape_cast %broadcast_in_dim3A_202 : vector<16xf32> to vector<1x16xf32>
              tpu.vector_store %arg8[%swap3A_408, %swap3A_409], %swap3A_412 {strides = array<i32>} : memref<400x128xf32, #tpu.memory_space<vmem>>, vector<1x16xf32>,
            } else {
            }
            %slice3A_302 = vector.extract_strided_slice %get3A_213 {offsets = [2], sizes = [1], strides = [1]} : vector<16xi32> to vector<1xi32>
            %squeeze3A_303 = vector.extract %slice3A_302[0] : i32 from vector<1xi32>
            %eq3A_304 = arith.constant 999999 : i32
            %eq3A_305 = arith.cmpi eq, %squeeze3A_303, %eq3A_304 : i32
            %convert_element_type3A_306 = arith.extui %eq3A_305 : i1 to i32
            %cond3A_307 = arith.constant 0 : i32
            %cond3A_308 = arith.cmpi ne, %convert_element_type3A_306, %cond3A_307 : i32
            scf.if %cond3A_308 {
              %mul3A_400 = arith.constant 16 : i32
              %mul3A_401 = arith.muli %scan3A_209, %mul3A_400 : i32
              %add3A_402 = arith.constant 2 : i32
              %add3A_403 = arith.addi %mul3A_401, %add3A_402 : i32
              %swap3A = arith.index_cast %add3A_403 : i32 to index
              %swap3A_404 = arith.constant 0 : index
              %swap3A_405 = tpu.vector_load %arg8[%swap3A, %swap3A_404] {strides = array<i32>} : memref<400x128xf32, #tpu.memory_space<vmem>>, vector<1x16xf32>,
              %swap3A_406 = vector.shape_cast %swap3A_405 : vector<1x16xf32> to vector<16xf32>
              %swap3A_407 = vector.shape_cast %broadcast_in_dim3A_202 : vector<16xf32> to vector<1x16xf32>
              tpu.vector_store %arg8[%swap3A, %swap3A_404], %swap3A_407 {strides = array<i32>} : memref<400x128xf32, #tpu.memory_space<vmem>>, vector<1x16xf32>,
              %swap3A_408 = arith.index_cast %add3A_403 : i32 to index
              %swap3A_409 = arith.constant 16 : index
              %swap3A_410 = tpu.vector_load %arg8[%swap3A_408, %swap3A_409] {strides = array<i32>} : memref<400x128xf32, #tpu.memory_space<vmem>>, vector<1x16xf32>,
              %swap3A_411 = vector.shape_cast %swap3A_410 : vector<1x16xf32> to vector<16xf32>
              %swap3A_412 = vector.shape_cast %broadcast_in_dim3A_202 : vector<16xf32> to vector<1x16xf32>
              tpu.vector_store %arg8[%swap3A_408, %swap3A_409], %swap3A_412 {strides = array<i32>} : memref<400x128xf32, #tpu.memory_space<vmem>>, vector<1x16xf32>,
            } else {
            }
            %slice3A_309 = vector.extract_strided_slice %get3A_213 {offsets = [3], sizes = [1], strides = [1]} : vector<16xi32> to vector<1xi32>
            %squeeze3A_310 = vector.extract %slice3A_309[0] : i32 from vector<1xi32>
            %eq3A_311 = arith.constant 999999 : i32
            %eq3A_312 = arith.cmpi eq, %squeeze3A_310, %eq3A_311 : i32
            %convert_element_type3A_313 = arith.extui %eq3A_312 : i1 to i32
            %cond3A_314 = arith.constant 0 : i32
            %cond3A_315 = arith.cmpi ne, %convert_element_type3A_313, %cond3A_314 : i32
            scf.if %cond3A_315 {
              %mul3A_400 = arith.constant 16 : i32
              %mul3A_401 = arith.muli %scan3A_209, %mul3A_400 : i32
              %add3A_402 = arith.constant 3 : i32
              %add3A_403 = arith.addi %mul3A_401, %add3A_402 : i32
              %swap3A = arith.index_cast %add3A_403 : i32 to index
              %swap3A_404 = arith.constant 0 : index
              %swap3A_405 = tpu.vector_load %arg8[%swap3A, %swap3A_404] {strides = array<i32>} : memref<400x128xf32, #tpu.memory_space<vmem>>, vector<1x16xf32>,
              %swap3A_406 = vector.shape_cast %swap3A_405 : vector<1x16xf32> to vector<16xf32>
              %swap3A_407 = vector.shape_cast %broadcast_in_dim3A_202 : vector<16xf32> to vector<1x16xf32>
              tpu.vector_store %arg8[%swap3A, %swap3A_404], %swap3A_407 {strides = array<i32>} : memref<400x128xf32, #tpu.memory_space<vmem>>, vector<1x16xf32>,
              %swap3A_408 = arith.index_cast %add3A_403 : i32 to index
              %swap3A_409 = arith.constant 16 : index
              %swap3A_410 = tpu.vector_load %arg8[%swap3A_408, %swap3A_409] {strides = array<i32>} : memref<400x128xf32, #tpu.memory_space<vmem>>, vector<1x16xf32>,
              %swap3A_411 = vector.shape_cast %swap3A_410 : vector<1x16xf32> to vector<16xf32>
              %swap3A_412 = vector.shape_cast %broadcast_in_dim3A_202 : vector<16xf32> to vector<1x16xf32>
              tpu.vector_store %arg8[%swap3A_408, %swap3A_409], %swap3A_412 {strides = array<i32>} : memref<400x128xf32, #tpu.memory_space<vmem>>, vector<1x16xf32>,
            } else {
            }
            %slice3A_316 = vector.extract_strided_slice %get3A_213 {offsets = [4], sizes = [1], strides = [1]} : vector<16xi32> to vector<1xi32>
            %squeeze3A_317 = vector.extract %slice3A_316[0] : i32 from vector<1xi32>
            %eq3A_318 = arith.constant 999999 : i32
            %eq3A_319 = arith.cmpi eq, %squeeze3A_317, %eq3A_318 : i32
            %convert_element_type3A_320 = arith.extui %eq3A_319 : i1 to i32
            %cond3A_321 = arith.constant 0 : i32
            %cond3A_322 = arith.cmpi ne, %convert_element_type3A_320, %cond3A_321 : i32
            scf.if %cond3A_322 {
              %mul3A_400 = arith.constant 16 : i32
              %mul3A_401 = arith.muli %scan3A_209, %mul3A_400 : i32
              %add3A_402 = arith.constant 4 : i32
              %add3A_403 = arith.addi %mul3A_401, %add3A_402 : i32
              %swap3A = arith.index_cast %add3A_403 : i32 to index
              %swap3A_404 = arith.constant 0 : index
              %swap3A_405 = tpu.vector_load %arg8[%swap3A, %swap3A_404] {strides = array<i32>} : memref<400x128xf32, #tpu.memory_space<vmem>>, vector<1x16xf32>,
              %swap3A_406 = vector.shape_cast %swap3A_405 : vector<1x16xf32> to vector<16xf32>
              %swap3A_407 = vector.shape_cast %broadcast_in_dim3A_202 : vector<16xf32> to vector<1x16xf32>
              tpu.vector_store %arg8[%swap3A, %swap3A_404], %swap3A_407 {strides = array<i32>} : memref<400x128xf32, #tpu.memory_space<vmem>>, vector<1x16xf32>,
              %swap3A_408 = arith.index_cast %add3A_403 : i32 to index
              %swap3A_409 = arith.constant 16 : index
              %swap3A_410 = tpu.vector_load %arg8[%swap3A_408, %swap3A_409] {strides = array<i32>} : memref<400x128xf32, #tpu.memory_space<vmem>>, vector<1x16xf32>,
              %swap3A_411 = vector.shape_cast %swap3A_410 : vector<1x16xf32> to vector<16xf32>
              %swap3A_412 = vector.shape_cast %broadcast_in_dim3A_202 : vector<16xf32> to vector<1x16xf32>
              tpu.vector_store %arg8[%swap3A_408, %swap3A_409], %swap3A_412 {strides = array<i32>} : memref<400x128xf32, #tpu.memory_space<vmem>>, vector<1x16xf32>,
            } else {
            }
            %slice3A_323 = vector.extract_strided_slice %get3A_213 {offsets = [5], sizes = [1], strides = [1]} : vector<16xi32> to vector<1xi32>
            %squeeze3A_324 = vector.extract %slice3A_323[0] : i32 from vector<1xi32>
            %eq3A_325 = arith.constant 999999 : i32
            %eq3A_326 = arith.cmpi eq, %squeeze3A_324, %eq3A_325 : i32
            %convert_element_type3A_327 = arith.extui %eq3A_326 : i1 to i32
            %cond3A_328 = arith.constant 0 : i32
            %cond3A_329 = arith.cmpi ne, %convert_element_type3A_327, %cond3A_328 : i32
            scf.if %cond3A_329 {
              %mul3A_400 = arith.constant 16 : i32
              %mul3A_401 = arith.muli %scan3A_209, %mul3A_400 : i32
              %add3A_402 = arith.constant 5 : i32
              %add3A_403 = arith.addi %mul3A_401, %add3A_402 : i32
              %swap3A = arith.index_cast %add3A_403 : i32 to index
              %swap3A_404 = arith.constant 0 : index
              %swap3A_405 = tpu.vector_load %arg8[%swap3A, %swap3A_404] {strides = array<i32>} : memref<400x128xf32, #tpu.memory_space<vmem>>, vector<1x16xf32>,
              %swap3A_406 = vector.shape_cast %swap3A_405 : vector<1x16xf32> to vector<16xf32>
              %swap3A_407 = vector.shape_cast %broadcast_in_dim3A_202 : vector<16xf32> to vector<1x16xf32>
              tpu.vector_store %arg8[%swap3A, %swap3A_404], %swap3A_407 {strides = array<i32>} : memref<400x128xf32, #tpu.memory_space<vmem>>, vector<1x16xf32>,
              %swap3A_408 = arith.index_cast %add3A_403 : i32 to index
              %swap3A_409 = arith.constant 16 : index
              %swap3A_410 = tpu.vector_load %arg8[%swap3A_408, %swap3A_409] {strides = array<i32>} : memref<400x128xf32, #tpu.memory_space<vmem>>, vector<1x16xf32>,
              %swap3A_411 = vector.shape_cast %swap3A_410 : vector<1x16xf32> to vector<16xf32>
              %swap3A_412 = vector.shape_cast %broadcast_in_dim3A_202 : vector<16xf32> to vector<1x16xf32>
              tpu.vector_store %arg8[%swap3A_408, %swap3A_409], %swap3A_412 {strides = array<i32>} : memref<400x128xf32, #tpu.memory_space<vmem>>, vector<1x16xf32>,
            } else {
            }
            %slice3A_330 = vector.extract_strided_slice %get3A_213 {offsets = [6], sizes = [1], strides = [1]} : vector<16xi32> to vector<1xi32>
            %squeeze3A_331 = vector.extract %slice3A_330[0] : i32 from vector<1xi32>
            %eq3A_332 = arith.constant 999999 : i32
            %eq3A_333 = arith.cmpi eq, %squeeze3A_331, %eq3A_332 : i32
            %convert_element_type3A_334 = arith.extui %eq3A_333 : i1 to i32
            %cond3A_335 = arith.constant 0 : i32
            %cond3A_336 = arith.cmpi ne, %convert_element_type3A_334, %cond3A_335 : i32
            scf.if %cond3A_336 {
              %mul3A_400 = arith.constant 16 : i32
              %mul3A_401 = arith.muli %scan3A_209, %mul3A_400 : i32
              %add3A_402 = arith.constant 6 : i32
              %add3A_403 = arith.addi %mul3A_401, %add3A_402 : i32
              %swap3A = arith.index_cast %add3A_403 : i32 to index
              %swap3A_404 = arith.constant 0 : index
              %swap3A_405 = tpu.vector_load %arg8[%swap3A, %swap3A_404] {strides = array<i32>} : memref<400x128xf32, #tpu.memory_space<vmem>>, vector<1x16xf32>,
              %swap3A_406 = vector.shape_cast %swap3A_405 : vector<1x16xf32> to vector<16xf32>
              %swap3A_407 = vector.shape_cast %broadcast_in_dim3A_202 : vector<16xf32> to vector<1x16xf32>
              tpu.vector_store %arg8[%swap3A, %swap3A_404], %swap3A_407 {strides = array<i32>} : memref<400x128xf32, #tpu.memory_space<vmem>>, vector<1x16xf32>,
              %swap3A_408 = arith.index_cast %add3A_403 : i32 to index
              %swap3A_409 = arith.constant 16 : index
              %swap3A_410 = tpu.vector_load %arg8[%swap3A_408, %swap3A_409] {strides = array<i32>} : memref<400x128xf32, #tpu.memory_space<vmem>>, vector<1x16xf32>,
              %swap3A_411 = vector.shape_cast %swap3A_410 : vector<1x16xf32> to vector<16xf32>
              %swap3A_412 = vector.shape_cast %broadcast_in_dim3A_202 : vector<16xf32> to vector<1x16xf32>
              tpu.vector_store %arg8[%swap3A_408, %swap3A_409], %swap3A_412 {strides = array<i32>} : memref<400x128xf32, #tpu.memory_space<vmem>>, vector<1x16xf32>,
            } else {
            }
            %slice3A_337 = vector.extract_strided_slice %get3A_213 {offsets = [7], sizes = [1], strides = [1]} : vector<16xi32> to vector<1xi32>
            %squeeze3A_338 = vector.extract %slice3A_337[0] : i32 from vector<1xi32>
            %eq3A_339 = arith.constant 999999 : i32
            %eq3A_340 = arith.cmpi eq, %squeeze3A_338, %eq3A_339 : i32
            %convert_element_type3A_341 = arith.extui %eq3A_340 : i1 to i32
            %cond3A_342 = arith.constant 0 : i32
            %cond3A_343 = arith.cmpi ne, %convert_element_type3A_341, %cond3A_342 : i32
            scf.if %cond3A_343 {
              %mul3A_400 = arith.constant 16 : i32
              %mul3A_401 = arith.muli %scan3A_209, %mul3A_400 : i32
              %add3A_402 = arith.constant 7 : i32
              %add3A_403 = arith.addi %mul3A_401, %add3A_402 : i32
              %swap3A = arith.index_cast %add3A_403 : i32 to index
              %swap3A_404 = arith.constant 0 : index
              %swap3A_405 = tpu.vector_load %arg8[%swap3A, %swap3A_404] {strides = array<i32>} : memref<400x128xf32, #tpu.memory_space<vmem>>, vector<1x16xf32>,
              %swap3A_406 = vector.shape_cast %swap3A_405 : vector<1x16xf32> to vector<16xf32>
              %swap3A_407 = vector.shape_cast %broadcast_in_dim3A_202 : vector<16xf32> to vector<1x16xf32>
              tpu.vector_store %arg8[%swap3A, %swap3A_404], %swap3A_407 {strides = array<i32>} : memref<400x128xf32, #tpu.memory_space<vmem>>, vector<1x16xf32>,
              %swap3A_408 = arith.index_cast %add3A_403 : i32 to index
              %swap3A_409 = arith.constant 16 : index
              %swap3A_410 = tpu.vector_load %arg8[%swap3A_408, %swap3A_409] {strides = array<i32>} : memref<400x128xf32, #tpu.memory_space<vmem>>, vector<1x16xf32>,
              %swap3A_411 = vector.shape_cast %swap3A_410 : vector<1x16xf32> to vector<16xf32>
              %swap3A_412 = vector.shape_cast %broadcast_in_dim3A_202 : vector<16xf32> to vector<1x16xf32>
              tpu.vector_store %arg8[%swap3A_408, %swap3A_409], %swap3A_412 {strides = array<i32>} : memref<400x128xf32, #tpu.memory_space<vmem>>, vector<1x16xf32>,
            } else {
            }
            %slice3A_344 = vector.extract_strided_slice %get3A_213 {offsets = [8], sizes = [1], strides = [1]} : vector<16xi32> to vector<1xi32>
            %squeeze3A_345 = vector.extract %slice3A_344[0] : i32 from vector<1xi32>
            %eq3A_346 = arith.constant 999999 : i32
            %eq3A_347 = arith.cmpi eq, %squeeze3A_345, %eq3A_346 : i32
            %convert_element_type3A_348 = arith.extui %eq3A_347 : i1 to i32
            %cond3A_349 = arith.constant 0 : i32
            %cond3A_350 = arith.cmpi ne, %convert_element_type3A_348, %cond3A_349 : i32
            scf.if %cond3A_350 {
              %mul3A_400 = arith.constant 16 : i32
              %mul3A_401 = arith.muli %scan3A_209, %mul3A_400 : i32
              %add3A_402 = arith.constant 8 : i32
              %add3A_403 = arith.addi %mul3A_401, %add3A_402 : i32
              %swap3A = arith.index_cast %add3A_403 : i32 to index
              %swap3A_404 = arith.constant 0 : index
              %swap3A_405 = tpu.vector_load %arg8[%swap3A, %swap3A_404] {strides = array<i32>} : memref<400x128xf32, #tpu.memory_space<vmem>>, vector<1x16xf32>,
              %swap3A_406 = vector.shape_cast %swap3A_405 : vector<1x16xf32> to vector<16xf32>
              %swap3A_407 = vector.shape_cast %broadcast_in_dim3A_202 : vector<16xf32> to vector<1x16xf32>
              tpu.vector_store %arg8[%swap3A, %swap3A_404], %swap3A_407 {strides = array<i32>} : memref<400x128xf32, #tpu.memory_space<vmem>>, vector<1x16xf32>,
              %swap3A_408 = arith.index_cast %add3A_403 : i32 to index
              %swap3A_409 = arith.constant 16 : index
              %swap3A_410 = tpu.vector_load %arg8[%swap3A_408, %swap3A_409] {strides = array<i32>} : memref<400x128xf32, #tpu.memory_space<vmem>>, vector<1x16xf32>,
              %swap3A_411 = vector.shape_cast %swap3A_410 : vector<1x16xf32> to vector<16xf32>
              %swap3A_412 = vector.shape_cast %broadcast_in_dim3A_202 : vector<16xf32> to vector<1x16xf32>
              tpu.vector_store %arg8[%swap3A_408, %swap3A_409], %swap3A_412 {strides = array<i32>} : memref<400x128xf32, #tpu.memory_space<vmem>>, vector<1x16xf32>,
            } else {
            }
            %slice3A_351 = vector.extract_strided_slice %get3A_213 {offsets = [9], sizes = [1], strides = [1]} : vector<16xi32> to vector<1xi32>
            %squeeze3A_352 = vector.extract %slice3A_351[0] : i32 from vector<1xi32>
            %eq3A_353 = arith.constant 999999 : i32
            %eq3A_354 = arith.cmpi eq, %squeeze3A_352, %eq3A_353 : i32
            %convert_element_type3A_355 = arith.extui %eq3A_354 : i1 to i32
            %cond3A_356 = arith.constant 0 : i32
            %cond3A_357 = arith.cmpi ne, %convert_element_type3A_355, %cond3A_356 : i32
            scf.if %cond3A_357 {
              %mul3A_400 = arith.constant 16 : i32
              %mul3A_401 = arith.muli %scan3A_209, %mul3A_400 : i32
              %add3A_402 = arith.constant 9 : i32
              %add3A_403 = arith.addi %mul3A_401, %add3A_402 : i32
              %swap3A = arith.index_cast %add3A_403 : i32 to index
              %swap3A_404 = arith.constant 0 : index
              %swap3A_405 = tpu.vector_load %arg8[%swap3A, %swap3A_404] {strides = array<i32>} : memref<400x128xf32, #tpu.memory_space<vmem>>, vector<1x16xf32>,
              %swap3A_406 = vector.shape_cast %swap3A_405 : vector<1x16xf32> to vector<16xf32>
              %swap3A_407 = vector.shape_cast %broadcast_in_dim3A_202 : vector<16xf32> to vector<1x16xf32>
              tpu.vector_store %arg8[%swap3A, %swap3A_404], %swap3A_407 {strides = array<i32>} : memref<400x128xf32, #tpu.memory_space<vmem>>, vector<1x16xf32>,
              %swap3A_408 = arith.index_cast %add3A_403 : i32 to index
              %swap3A_409 = arith.constant 16 : index
              %swap3A_410 = tpu.vector_load %arg8[%swap3A_408, %swap3A_409] {strides = array<i32>} : memref<400x128xf32, #tpu.memory_space<vmem>>, vector<1x16xf32>,
              %swap3A_411 = vector.shape_cast %swap3A_410 : vector<1x16xf32> to vector<16xf32>
              %swap3A_412 = vector.shape_cast %broadcast_in_dim3A_202 : vector<16xf32> to vector<1x16xf32>
              tpu.vector_store %arg8[%swap3A_408, %swap3A_409], %swap3A_412 {strides = array<i32>} : memref<400x128xf32, #tpu.memory_space<vmem>>, vector<1x16xf32>,
            } else {
            }
            %slice3A_358 = vector.extract_strided_slice %get3A_213 {offsets = [10], sizes = [1], strides = [1]} : vector<16xi32> to vector<1xi32>
            %squeeze3A_359 = vector.extract %slice3A_358[0] : i32 from vector<1xi32>
            %eq3A_360 = arith.constant 999999 : i32
            %eq3A_361 = arith.cmpi eq, %squeeze3A_359, %eq3A_360 : i32
            %convert_element_type3A_362 = arith.extui %eq3A_361 : i1 to i32
            %cond3A_363 = arith.constant 0 : i32
            %cond3A_364 = arith.cmpi ne, %convert_element_type3A_362, %cond3A_363 : i32
            scf.if %cond3A_364 {
              %mul3A_400 = arith.constant 16 : i32
              %mul3A_401 = arith.muli %scan3A_209, %mul3A_400 : i32
              %add3A_402 = arith.constant 10 : i32
              %add3A_403 = arith.addi %mul3A_401, %add3A_402 : i32
              %swap3A = arith.index_cast %add3A_403 : i32 to index
              %swap3A_404 = arith.constant 0 : index
              %swap3A_405 = tpu.vector_load %arg8[%swap3A, %swap3A_404] {strides = array<i32>} : memref<400x128xf32, #tpu.memory_space<vmem>>, vector<1x16xf32>,
              %swap3A_406 = vector.shape_cast %swap3A_405 : vector<1x16xf32> to vector<16xf32>
              %swap3A_407 = vector.shape_cast %broadcast_in_dim3A_202 : vector<16xf32> to vector<1x16xf32>
              tpu.vector_store %arg8[%swap3A, %swap3A_404], %swap3A_407 {strides = array<i32>} : memref<400x128xf32, #tpu.memory_space<vmem>>, vector<1x16xf32>,
              %swap3A_408 = arith.index_cast %add3A_403 : i32 to index
              %swap3A_409 = arith.constant 16 : index
              %swap3A_410 = tpu.vector_load %arg8[%swap3A_408, %swap3A_409] {strides = array<i32>} : memref<400x128xf32, #tpu.memory_space<vmem>>, vector<1x16xf32>,
              %swap3A_411 = vector.shape_cast %swap3A_410 : vector<1x16xf32> to vector<16xf32>
              %swap3A_412 = vector.shape_cast %broadcast_in_dim3A_202 : vector<16xf32> to vector<1x16xf32>
              tpu.vector_store %arg8[%swap3A_408, %swap3A_409], %swap3A_412 {strides = array<i32>} : memref<400x128xf32, #tpu.memory_space<vmem>>, vector<1x16xf32>,
            } else {
            }
            %slice3A_365 = vector.extract_strided_slice %get3A_213 {offsets = [11], sizes = [1], strides = [1]} : vector<16xi32> to vector<1xi32>
            %squeeze3A_366 = vector.extract %slice3A_365[0] : i32 from vector<1xi32>
            %eq3A_367 = arith.constant 999999 : i32
            %eq3A_368 = arith.cmpi eq, %squeeze3A_366, %eq3A_367 : i32
            %convert_element_type3A_369 = arith.extui %eq3A_368 : i1 to i32
            %cond3A_370 = arith.constant 0 : i32
            %cond3A_371 = arith.cmpi ne, %convert_element_type3A_369, %cond3A_370 : i32
            scf.if %cond3A_371 {
              %mul3A_400 = arith.constant 16 : i32
              %mul3A_401 = arith.muli %scan3A_209, %mul3A_400 : i32
              %add3A_402 = arith.constant 11 : i32
              %add3A_403 = arith.addi %mul3A_401, %add3A_402 : i32
              %swap3A = arith.index_cast %add3A_403 : i32 to index
              %swap3A_404 = arith.constant 0 : index
              %swap3A_405 = tpu.vector_load %arg8[%swap3A, %swap3A_404] {strides = array<i32>} : memref<400x128xf32, #tpu.memory_space<vmem>>, vector<1x16xf32>,
              %swap3A_406 = vector.shape_cast %swap3A_405 : vector<1x16xf32> to vector<16xf32>
              %swap3A_407 = vector.shape_cast %broadcast_in_dim3A_202 : vector<16xf32> to vector<1x16xf32>
              tpu.vector_store %arg8[%swap3A, %swap3A_404], %swap3A_407 {strides = array<i32>} : memref<400x128xf32, #tpu.memory_space<vmem>>, vector<1x16xf32>,
              %swap3A_408 = arith.index_cast %add3A_403 : i32 to index
              %swap3A_409 = arith.constant 16 : index
              %swap3A_410 = tpu.vector_load %arg8[%swap3A_408, %swap3A_409] {strides = array<i32>} : memref<400x128xf32, #tpu.memory_space<vmem>>, vector<1x16xf32>,
              %swap3A_411 = vector.shape_cast %swap3A_410 : vector<1x16xf32> to vector<16xf32>
              %swap3A_412 = vector.shape_cast %broadcast_in_dim3A_202 : vector<16xf32> to vector<1x16xf32>
              tpu.vector_store %arg8[%swap3A_408, %swap3A_409], %swap3A_412 {strides = array<i32>} : memref<400x128xf32, #tpu.memory_space<vmem>>, vector<1x16xf32>,
            } else {
            }
            %slice3A_372 = vector.extract_strided_slice %get3A_213 {offsets = [12], sizes = [1], strides = [1]} : vector<16xi32> to vector<1xi32>
            %squeeze3A_373 = vector.extract %slice3A_372[0] : i32 from vector<1xi32>
            %eq3A_374 = arith.constant 999999 : i32
            %eq3A_375 = arith.cmpi eq, %squeeze3A_373, %eq3A_374 : i32
            %convert_element_type3A_376 = arith.extui %eq3A_375 : i1 to i32
            %cond3A_377 = arith.constant 0 : i32
            %cond3A_378 = arith.cmpi ne, %convert_element_type3A_376, %cond3A_377 : i32
            scf.if %cond3A_378 {
              %mul3A_400 = arith.constant 16 : i32
              %mul3A_401 = arith.muli %scan3A_209, %mul3A_400 : i32
              %add3A_402 = arith.constant 12 : i32
              %add3A_403 = arith.addi %mul3A_401, %add3A_402 : i32
              %swap3A = arith.index_cast %add3A_403 : i32 to index
              %swap3A_404 = arith.constant 0 : index
              %swap3A_405 = tpu.vector_load %arg8[%swap3A, %swap3A_404] {strides = array<i32>} : memref<400x128xf32, #tpu.memory_space<vmem>>, vector<1x16xf32>,
              %swap3A_406 = vector.shape_cast %swap3A_405 : vector<1x16xf32> to vector<16xf32>
              %swap3A_407 = vector.shape_cast %broadcast_in_dim3A_202 : vector<16xf32> to vector<1x16xf32>
              tpu.vector_store %arg8[%swap3A, %swap3A_404], %swap3A_407 {strides = array<i32>} : memref<400x128xf32, #tpu.memory_space<vmem>>, vector<1x16xf32>,
              %swap3A_408 = arith.index_cast %add3A_403 : i32 to index
              %swap3A_409 = arith.constant 16 : index
              %swap3A_410 = tpu.vector_load %arg8[%swap3A_408, %swap3A_409] {strides = array<i32>} : memref<400x128xf32, #tpu.memory_space<vmem>>, vector<1x16xf32>,
              %swap3A_411 = vector.shape_cast %swap3A_410 : vector<1x16xf32> to vector<16xf32>
              %swap3A_412 = vector.shape_cast %broadcast_in_dim3A_202 : vector<16xf32> to vector<1x16xf32>
              tpu.vector_store %arg8[%swap3A_408, %swap3A_409], %swap3A_412 {strides = array<i32>} : memref<400x128xf32, #tpu.memory_space<vmem>>, vector<1x16xf32>,
            } else {
            }
            %slice3A_379 = vector.extract_strided_slice %get3A_213 {offsets = [13], sizes = [1], strides = [1]} : vector<16xi32> to vector<1xi32>
            %squeeze3A_380 = vector.extract %slice3A_379[0] : i32 from vector<1xi32>
            %eq3A_381 = arith.constant 999999 : i32
            %eq3A_382 = arith.cmpi eq, %squeeze3A_380, %eq3A_381 : i32
            %convert_element_type3A_383 = arith.extui %eq3A_382 : i1 to i32
            %cond3A_384 = arith.constant 0 : i32
            %cond3A_385 = arith.cmpi ne, %convert_element_type3A_383, %cond3A_384 : i32
            scf.if %cond3A_385 {
              %mul3A_400 = arith.constant 16 : i32
              %mul3A_401 = arith.muli %scan3A_209, %mul3A_400 : i32
              %add3A_402 = arith.constant 13 : i32
              %add3A_403 = arith.addi %mul3A_401, %add3A_402 : i32
              %swap3A = arith.index_cast %add3A_403 : i32 to index
              %swap3A_404 = arith.constant 0 : index
              %swap3A_405 = tpu.vector_load %arg8[%swap3A, %swap3A_404] {strides = array<i32>} : memref<400x128xf32, #tpu.memory_space<vmem>>, vector<1x16xf32>,
              %swap3A_406 = vector.shape_cast %swap3A_405 : vector<1x16xf32> to vector<16xf32>
              %swap3A_407 = vector.shape_cast %broadcast_in_dim3A_202 : vector<16xf32> to vector<1x16xf32>
              tpu.vector_store %arg8[%swap3A, %swap3A_404], %swap3A_407 {strides = array<i32>} : memref<400x128xf32, #tpu.memory_space<vmem>>, vector<1x16xf32>,
              %swap3A_408 = arith.index_cast %add3A_403 : i32 to index
              %swap3A_409 = arith.constant 16 : index
              %swap3A_410 = tpu.vector_load %arg8[%swap3A_408, %swap3A_409] {strides = array<i32>} : memref<400x128xf32, #tpu.memory_space<vmem>>, vector<1x16xf32>,
              %swap3A_411 = vector.shape_cast %swap3A_410 : vector<1x16xf32> to vector<16xf32>
              %swap3A_412 = vector.shape_cast %broadcast_in_dim3A_202 : vector<16xf32> to vector<1x16xf32>
              tpu.vector_store %arg8[%swap3A_408, %swap3A_409], %swap3A_412 {strides = array<i32>} : memref<400x128xf32, #tpu.memory_space<vmem>>, vector<1x16xf32>,
            } else {
            }
            %slice3A_386 = vector.extract_strided_slice %get3A_213 {offsets = [14], sizes = [1], strides = [1]} : vector<16xi32> to vector<1xi32>
            %squeeze3A_387 = vector.extract %slice3A_386[0] : i32 from vector<1xi32>
            %eq3A_388 = arith.constant 999999 : i32
            %eq3A_389 = arith.cmpi eq, %squeeze3A_387, %eq3A_388 : i32
            %convert_element_type3A_390 = arith.extui %eq3A_389 : i1 to i32
            %cond3A_391 = arith.constant 0 : i32
            %cond3A_392 = arith.cmpi ne, %convert_element_type3A_390, %cond3A_391 : i32
            scf.if %cond3A_392 {
              %mul3A_400 = arith.constant 16 : i32
              %mul3A_401 = arith.muli %scan3A_209, %mul3A_400 : i32
              %add3A_402 = arith.constant 14 : i32
              %add3A_403 = arith.addi %mul3A_401, %add3A_402 : i32
              %swap3A = arith.index_cast %add3A_403 : i32 to index
              %swap3A_404 = arith.constant 0 : index
              %swap3A_405 = tpu.vector_load %arg8[%swap3A, %swap3A_404] {strides = array<i32>} : memref<400x128xf32, #tpu.memory_space<vmem>>, vector<1x16xf32>,
              %swap3A_406 = vector.shape_cast %swap3A_405 : vector<1x16xf32> to vector<16xf32>
              %swap3A_407 = vector.shape_cast %broadcast_in_dim3A_202 : vector<16xf32> to vector<1x16xf32>
              tpu.vector_store %arg8[%swap3A, %swap3A_404], %swap3A_407 {strides = array<i32>} : memref<400x128xf32, #tpu.memory_space<vmem>>, vector<1x16xf32>,
              %swap3A_408 = arith.index_cast %add3A_403 : i32 to index
              %swap3A_409 = arith.constant 16 : index
              %swap3A_410 = tpu.vector_load %arg8[%swap3A_408, %swap3A_409] {strides = array<i32>} : memref<400x128xf32, #tpu.memory_space<vmem>>, vector<1x16xf32>,
              %swap3A_411 = vector.shape_cast %swap3A_410 : vector<1x16xf32> to vector<16xf32>
              %swap3A_412 = vector.shape_cast %broadcast_in_dim3A_202 : vector<16xf32> to vector<1x16xf32>
              tpu.vector_store %arg8[%swap3A_408, %swap3A_409], %swap3A_412 {strides = array<i32>} : memref<400x128xf32, #tpu.memory_space<vmem>>, vector<1x16xf32>,
            } else {
            }
            %slice3A_393 = vector.extract_strided_slice %get3A_213 {offsets = [15], sizes = [1], strides = [1]} : vector<16xi32> to vector<1xi32>
            %squeeze3A_394 = vector.extract %slice3A_393[0] : i32 from vector<1xi32>
            %eq3A_395 = arith.constant 999999 : i32
            %eq3A_396 = arith.cmpi eq, %squeeze3A_394, %eq3A_395 : i32
            %convert_element_type3A_397 = arith.extui %eq3A_396 : i1 to i32
            %cond3A_398 = arith.constant 0 : i32
            %cond3A_399 = arith.cmpi ne, %convert_element_type3A_397, %cond3A_398 : i32
            scf.if %cond3A_399 {
              %mul3A_400 = arith.constant 16 : i32
              %mul3A_401 = arith.muli %scan3A_209, %mul3A_400 : i32
              %add3A_402 = arith.constant 15 : i32
              %add3A_403 = arith.addi %mul3A_401, %add3A_402 : i32
              %swap3A = arith.index_cast %add3A_403 : i32 to index
              %swap3A_404 = arith.constant 0 : index
              %swap3A_405 = tpu.vector_load %arg8[%swap3A, %swap3A_404] {strides = array<i32>} : memref<400x128xf32, #tpu.memory_space<vmem>>, vector<1x16xf32>,
              %swap3A_406 = vector.shape_cast %swap3A_405 : vector<1x16xf32> to vector<16xf32>
              %swap3A_407 = vector.shape_cast %broadcast_in_dim3A_202 : vector<16xf32> to vector<1x16xf32>
              tpu.vector_store %arg8[%swap3A, %swap3A_404], %swap3A_407 {strides = array<i32>} : memref<400x128xf32, #tpu.memory_space<vmem>>, vector<1x16xf32>,
              %swap3A_408 = arith.index_cast %add3A_403 : i32 to index
              %swap3A_409 = arith.constant 16 : index
              %swap3A_410 = tpu.vector_load %arg8[%swap3A_408, %swap3A_409] {strides = array<i32>} : memref<400x128xf32, #tpu.memory_space<vmem>>, vector<1x16xf32>,
              %swap3A_411 = vector.shape_cast %swap3A_410 : vector<1x16xf32> to vector<16xf32>
              %swap3A_412 = vector.shape_cast %broadcast_in_dim3A_202 : vector<16xf32> to vector<1x16xf32>
              tpu.vector_store %arg8[%swap3A_408, %swap3A_409], %swap3A_412 {strides = array<i32>} : memref<400x128xf32, #tpu.memory_space<vmem>>, vector<1x16xf32>,
            } else {
            }
          } else {
          }
        }
        %scan3A_208 = arith.constant 25 : i32
      } else {
      }
      %not3A_192 = arith.constant true
      %not3A_193 = arith.xori %eq3A_106, %not3A_192 : i1
      %convert_element_type3A_194 = arith.extui %not3A_193 : i1 to i32
      %cond3A_195 = arith.constant 0 : i32
      %cond3A_196 = arith.cmpi ne, %convert_element_type3A_194, %cond3A_195 : i32
      scf.if %cond3A_196 {
        %dma_wait3A_201 = arith.constant 0 : i32
        %dma_wait3A_202 = tpu.memref_slice %arg4[%multiple_of3A_110, %dma_wait3A_201] : memref<819200x128xf32, #tpu.memory_space<hbm>> -> memref<400x128xf32, #tpu.memory_space<hbm>>
        %dma_wait3A_203 = arith.constant 0 : i32
        %dma_wait3A_204 = tpu.memref_slice %arg4[%multiple_of3A_110, %dma_wait3A_203] : memref<819200x128xf32, #tpu.memory_space<hbm>> -> memref<400x128xf32, #tpu.memory_space<hbm>>
        tpu.wait_dma2 semaphore(%arg10 : memref<!tpu.dma_semaphore, #tpu.memory_space<semaphore_mem>>) src(%arg8 : memref<400x128xf32, #tpu.memory_space<vmem>>) dst(%dma_wait3A_204 : memref<400x128xf32, #tpu.memory_space<hbm>>)
      } else {
      }
      %dma_start3A_197 = arith.constant 0 : i32
      %dma_start3A_198 = tpu.memref_slice %arg4[%multiple_of3A_110, %dma_start3A_197] : memref<819200x128xf32, #tpu.memory_space<hbm>> -> memref<400x128xf32, #tpu.memory_space<hbm>>
      %dma_start3A_199 = arith.constant 0 : i32
      %dma_start3A_200 = tpu.memref_slice %arg4[%multiple_of3A_110, %dma_start3A_199] : memref<819200x128xf32, #tpu.memory_space<hbm>> -> memref<400x128xf32, #tpu.memory_space<hbm>>
      tpu.enqueue_dma source(%arg8 : memref<400x128xf32, #tpu.memory_space<vmem>>) target(%dma_start3A_200 : memref<400x128xf32, #tpu.memory_space<hbm>>) target_semaphore(%arg10 : memref<!tpu.dma_semaphore, #tpu.memory_space<semaphore_mem>>)
    }
    %scan3A_7 = arith.constant 32 : i32
    %multiple_of3A = tpu.assume_multiple %mul3A_2, 8 : i32
    %dma_wait3A = arith.constant 0 : i32
    %dma_wait3A_8 = tpu.memref_slice %arg4[%multiple_of3A, %dma_wait3A] : memref<819200x128xf32, #tpu.memory_space<hbm>> -> memref<400x128xf32, #tpu.memory_space<hbm>>
    %dma_wait3A_9 = arith.constant 0 : i32
    %dma_wait3A_10 = tpu.memref_slice %arg4[%multiple_of3A, %dma_wait3A_9] : memref<819200x128xf32, #tpu.memory_space<hbm>> -> memref<400x128xf32, #tpu.memory_space<hbm>>
    tpu.wait_dma2 semaphore(%arg10 : memref<!tpu.dma_semaphore, #tpu.memory_space<semaphore_mem>>) src(%arg7 : memref<400x128xf32, #tpu.memory_space<vmem>>) dst(%dma_wait3A_10 : memref<400x128xf32, #tpu.memory_space<hbm>>)
    %dma_wait3A_11 = arith.constant 0 : i32
    %dma_wait3A_12 = tpu.memref_slice %arg4[%multiple_of3A, %dma_wait3A_11] : memref<819200x128xf32, #tpu.memory_space<hbm>> -> memref<400x128xf32, #tpu.memory_space<hbm>>
    %dma_wait3A_13 = arith.constant 0 : i32
    %dma_wait3A_14 = tpu.memref_slice %arg4[%multiple_of3A, %dma_wait3A_13] : memref<819200x128xf32, #tpu.memory_space<hbm>> -> memref<400x128xf32, #tpu.memory_space<hbm>>
    tpu.wait_dma2 semaphore(%arg10 : memref<!tpu.dma_semaphore, #tpu.memory_space<semaphore_mem>>) src(%arg7 : memref<400x128xf32, #tpu.memory_space<vmem>>) dst(%dma_wait3A_14 : memref<400x128xf32, #tpu.memory_space<hbm>>)
    return
  }
}

</mosaic_0001>

<sc_bundles>
// kernel: kernel.3.cloned.1.call-start
scs
__scs_entry_jumppad:
0x0: {  	(pc) =	sbr.rel $0x88, $3  }
0x1: {  	(tag) =	ssettag $0x0;
	lr =	simm.s32 $0x1  }
0x2: {  	[smem:$0x3F9F] =	sst lr;
	_ =	strace $0xD0000000  }
0x3: {  	_ = 	snop  }
0x4: {  	_ = 	snop  }
0x5: {  	_ = 	snop  }
0x6: {  	_ = 	snop  }
0x7: {  	_ = 	snop  }
__scs_overlays_trampoline_lowered:
0x8: {  	[smem:$0x3FAE] =	sst s0  }
0x9: {  	[smem:$0x3FAF] =	sst s1  }
0xa: {  	[smem:$0x3FB0] =	sst s2  }
0xb: {  	[smem:$0x3FB1] =	sst s3  }
0xc: {  	[smem:$0x3FB2] =	sst s4  }
0xd: {  	[smem:$0x3FB3] =	sst s5  }
0xe: {  	[smem:$0x3FB4] =	sst s6  }
0xf: {  	[smem:$0x3FB5] =	sst s7  }
0x10: {  	[smem:$0x3FB6] =	sst s8  }
0x11: {  	[smem:$0x3FB7] =	sst s9;
	s0 =	simm.s32 @!p0 $0x0  }
0x12: {  	s1 =	sld [smem:$0x3F9D];
	s0 =	simm.s32 @p0 $0x1  }
0x13: {  	[smem:$0x3FB8] =	sst s0;
	s0 =	simm.s32 @!p1 $0x0  }
0x14: {  	s2 =	sld [smem:$0x3F9C];
	s0 =	simm.s32 @p1 $0x1  }
0x15: {  	[smem:$0x3FB9] =	sst s0;
	s0 =	simm.s32 @!p2 $0x0  }
0x16: {  	s3 =	sld [smem:$0x3FDB];
	s0 =	simm.s32 @p2 $0x1  }
0x17: {  	s4 =	simm.s32 $0x1BF5;
	[smem:$0x3FBB] =	sst s0  }
0x18: {  	s0 =	sld [smem:$0x3F9E];
	_ =	swait.ge [sflag:s4], $0x0  }
0x19: {  	s7 =	sld [smem:$0x3F9F]  }
0x1a: {  	s8 =	sadd.s32 $0xFFFFE003, lr  }
0x1b: {  	s9 =	sadd.s32 $0xFFFFFEF7, lr;
	s5 =	simm.s32 $0xFFFFFFFF;
	p2 =	slt.u32 s8, $0xFFFFF086  }
0x1c: {  	p1 =	slt.u32 s9, $0xF7A;
	s5 =	simm.s32 @!p2 $0x0  }
0x1d: {  	s5 =	simm.s32 @p1 $0x1;
	p0 =	seq.s32 s7, s2  }
0x1e: {  	s7 =	smul.u32 @!p0 $0xF7A, s2;
	p2 =	seq.s32 @!p0 s5, $0x0  }
0x1f: {  	s9 =	smul.u32 $0xF7A, s1;
	s8 =	simm.s32 @!p0 $0x1BF5;
	p2 =	por !p2, p0  }
0x20: {  	[sflag:s8] =	ssyncset.s32 @!p0 $0xFFFFF086;
	s6 =	sadd.s32 @!p0 s3, s7;
	s7 =	simm.s32 @!p0 $0x108  }
0x21: {  	s3 =	sadd.s32 s3, s9;
	s6 =	sadd.s32 @!p0 $0x88, s6;
	s7 =	simm.s32 @p2 $0x1082  }
0x22: {  	[simem:s7], [sflag:s8] =	dma.local @!p0 [hbm:s6], $0xF7A  }
0x23: {  	s9 =	sor.u32 $0xD0000000, s2;
	s6 =	simm.s32 $0x108;
	_ =	swait.ge @!p0 [sflag:s8], $0x0  }
0x24: {  	s3 =	sadd.s32 $0x88, s3;
	s6 =	simm.s32 @!p1 $0x1082;
	[sflag:s4] =	ssyncset.s32 $0xFFFFF086  }
0x25: {  	[simem:s6], [sflag:s4] =	dma.local [hbm:s3], $0xF7A  }
0x26: {  	[smem:$0x3F9F] =	sst s1;
	(tag) =	ssettag s2;
	_ =	strace s9  }
0x27: {  	s1 =	sld [smem:$0x3FAF]  }
0x28: {  	s2 =	sld [smem:$0x3FB0]  }
0x29: {  	s4 =	sld [smem:$0x3FB2]  }
0x2a: {  	p0 =	seq.s32 s5, $0x0;
	s5 =	sld [smem:$0x3FB3]  }
0x2b: {  	s6 =	sld [smem:$0x3FB4]  }
0x2c: {  	s7 =	sld [smem:$0x3FB5]  }
0x2d: {  	s3 =	simm.s32 $0x108;
	s8 =	sld [smem:$0x3FB6]  }
0x2e: {  	s3 =	simm.s32 @!p0 $0x1082;
	s9 =	sld [smem:$0x3FB7]  }
0x2f: {  	lr =	sadd.s32 s0, s3;
	s0 =	sld [smem:$0x3FAE]  }
0x30: {  	s3 =	sld [smem:$0x3FB1]  }
0x31: {  	[smem:$0x3FBA] =	sst s10  }
0x32: {  	s10 =	sld [smem:$0x3FB8];
	_ =	sdelay $0x3  }
0x33: {  	p0 =	seq.s32 s10, $0x1;
	s10 =	sld [smem:$0x3FBA];
	_ =	sdelay $0x3  }
0x34: {  	[smem:$0x3FBA] =	sst s10  }
0x35: {  	s10 =	sld [smem:$0x3FB9];
	_ =	sdelay $0x3  }
0x36: {  	p1 =	seq.s32 s10, $0x1;
	s10 =	sld [smem:$0x3FBA];
	_ =	sdelay $0x3  }
0x37: {  	[smem:$0x3FBA] =	sst s10  }
0x38: {  	s10 =	sld [smem:$0x3FBB]  }
0x39: {  	_ = 	snop;
	(pc) =	sbr.ind lr, $3  }
0x3a: {  	_ = 	snop  }
0x3b: {  	_ = 	snop  }
0x3c: {  	p2 =	seq.s32 s10, $0x1;
	s10 =	sld [smem:$0x3FBA]  }
0x3d: {  	_ =	shalt  }
0x3e: {  	_ =	shalt  }
0x3f: {  	_ =	shalt  }
0x40: {  	_ =	shalt  }
0x41: {  	_ =	shalt  }
0x42: {  	_ =	shalt  }
0x43: {  	_ =	shalt  }
0x44: {  	_ =	shalt  }
0x45: {  	_ =	shalt  }
0x46: {  	_ =	shalt  }
0x47: {  	_ =	shalt  }
0x48: {  	_ =	shalt  }
0x49: {  	_ =	shalt  }
0x4a: {  	_ =	shalt  }
0x4b: {  	_ =	shalt  }
0x4c: {  	_ =	shalt  }
0x4d: {  	_ =	shalt  }
0x4e: {  	_ =	shalt  }
0x4f: {  	_ =	shalt  }
0x50: {  	_ =	shalt  }
0x51: {  	_ =	shalt  }
0x52: {  	_ =	shalt  }
0x53: {  	_ =	shalt  }
0x54: {  	_ =	shalt  }
0x55: {  	_ =	shalt  }
0x56: {  	_ =	shalt  }
0x57: {  	_ =	shalt  }
0x58: {  	_ =	shalt  }
0x59: {  	_ =	shalt  }
0x5a: {  	_ =	shalt  }
0x5b: {  	_ =	shalt  }
0x5c: {  	_ =	shalt  }
0x5d: {  	_ =	shalt  }
0x5e: {  	_ =	shalt  }
0x5f: {  	_ =	shalt  }
0x60: {  	_ =	shalt  }
0x61: {  	_ =	shalt  }
0x62: {  	_ =	shalt  }
0x63: {  	_ =	shalt  }
0x64: {  	_ =	shalt  }
0x65: {  	_ =	shalt  }
0x66: {  	_ =	shalt  }
0x67: {  	_ =	shalt  }
0x68: {  	_ =	shalt  }
0x69: {  	_ =	shalt  }
0x6a: {  	_ =	shalt  }
0x6b: {  	_ =	shalt  }
0x6c: {  	_ =	shalt  }
0x6d: {  	_ =	shalt  }
0x6e: {  	_ =	shalt  }
0x6f: {  	_ =	shalt  }
0x70: {  	_ =	shalt  }
0x71: {  	_ =	shalt  }
0x72: {  	_ =	shalt  }
0x73: {  	_ =	shalt  }
0x74: {  	_ =	shalt  }
0x75: {  	_ =	shalt  }
0x76: {  	_ =	shalt  }
0x77: {  	_ =	shalt  }
0x78: {  	_ =	shalt  }
0x79: {  	_ =	shalt  }
0x7a: {  	_ =	shalt  }
0x7b: {  	_ =	shalt  }
0x7c: {  	_ =	shalt  }
0x7d: {  	_ =	shalt  }
0x7e: {  	_ =	shalt  }
0x7f: {  	_ =	shalt  }
0x80: {  	_ =	shalt  }
0x81: {  	_ =	shalt  }
0x82: {  	_ =	shalt  }
0x83: {  	_ =	shalt  }
0x84: {  	_ =	shalt  }
0x85: {  	_ =	shalt  }
0x86: {  	_ =	shalt  }
0x87: {  	_ =	shalt  }
.Lfunc_end0:
.L_simem_size_0:
called_computation.1_lowered:
.L_overlay_start_0:
0x88: {  	s2 =	sld [smem:$0x3FD9]  }
0x89: {  	s3 =	sld [smem:$0x3FFE];
	_ =	sdelay $0x1  }
0x8a: {  	s1 =	srdreg.scid  }
0x8b: {  	s0 =	sand.u32 $0x1, s1  }
0x8c: {  	s17 =	sshll.u32 s0, $0xA;
	s2 =	sadd.s32 s3, s2  }
0x8d: {  	s2 =	sadd.s32 s2, s17  }
0x8e: {  	[smem:$0x3FC6] =	sst s2  }
0x8f: {  	_ = 	snop  }
0x90: {  	s2 =	sld [smem:$0x3FD0];
	(tm) =	ssettm $0x1  }
0x91: {  	s18 =	sld [smem:$0x3FFB];
	_ =	sdelay $0x3  }
0x92: {  	_ =	strace s18  }
0x93: {  	s3 =	sld [smem:$0x3FFC];
	_ =	sdelay $0x3  }
0x94: {  	_ =	strace s3  }
0x95: {  	s3 =	sld [smem:$0x3FFD];
	_ =	sdelay $0x3  }
0x96: {  	_ =	strace s3  }
0x97: {  	_ =	strace $0x8FFFFFFF  }
0x98: {  	s19 =	sld [smem:$0x3FDB];
	_ =	sdelay $0x1  }
0x99: {  	s4 =	simm.s32 $_scs_section_size  }
0x9a: {  	s5 =	simm.s32 $_size__tile_overlayer_lowered;
	s6 =	simm.s32 $_tile_overlayer_lowered  }
0x9b: {  	s22 =	simm.s32 $0x1BFF;
	s21 =	sshll.u32 s6, $0x1;
	s3 =	sadd.s32 s4, s19  }
0x9c: {  	s7 =	simm.s32 $0x0;
	s20 =	sshll.u32 s5, $0x1;
	s5 =	sadd.s32 s21, s3  }
0x9d: {  	[timem:s7], [sflag:s22] =	dma.local [hbm:s5], s20  }
0x9e: {  	_ =	swait.ge [sflag:s22], s20  }
0x9f: {  	s4 =	ssub.s32 $0x0, s20;
	[sflag:s22] =	ssyncset.done $0x0  }
0xa0: {  	[sflag:s22] =	ssyncadd.s32 s4;
	_ =	sdelay $0x1  }
0xa1: {  	s23 =	simm.s32 $0x1B8B  }
0xa2: {  	_ =	swait.ge [sflag:s23], $0x1  }
0xa3: {  	[sflag:s23] =	ssyncset.done $0x0  }
0xa4: {  	s25 =	simm.s32 $0x1B8E;
	s24 =	sld [smem:$0x3FFE];
	[sflag:s23] =	ssyncadd.s32 $0xFFFFFFFF  }
0xa5: {  	s26 =	simm.s32 $execute0_lowered;
	[smem:$0x3FD2] =	sst s25  }
0xa6: {  	s5 =	sshll.u32 s26, $0x1;
	_ =	strace $0x80000046;
	[dreg:$0x1] =	wrdreg $0xFFFFFFFF  }
0xa7: {  	s28 =	simm.s32 $_size_execute0_lowered;
	s3 =	sadd.s32 s3, s5;
	[dreg:$0x0] =	wrdreg $0x0  }
0xa8: {  	s5 =	sshll.u32 s28, $0x1;
	[dreg:$0x2] =	wrdreg s3  }
0xa9: {  	[dreg:$0x3] =	wrdreg s5  }
0xaa: {  	[dreg:$0x4] =	wrdreg $0xC0  }
0xab: {  	_ =	task [dreg:s7], $0x5FFFF  }
0xac: {  	[dreg:$0x1] =	wrdreg $0xFFFFFFFF  }
0xad: {  	[dreg:$0x0] =	wrdreg $0x60  }
0xae: {  	[dreg:$0x2] =	wrdreg s2  }
0xaf: {  	[dreg:$0x3] =	wrdreg s24  }
0xb0: {  	[dreg:$0x4] =	wrdreg $0x9  }
0xb1: {  	_ =	task.clear_ibuf [dreg:s7], $0x5FFFF;
	_ =	strace $0x90000046  }
0xb2: {  	s29 =	simm.s32 $0x9;
	_ =	strace $0x80000048  }
0xb3: {  	_ =	swait.ge [sflag:s29], $0x1  }
0xb4: {  	[sflag:s29] =	ssyncadd.s32 $0xFFFFFFFF  }
0xb5: {  	_ =	strace $0x90000048  }
0xb6: {  	_ =	sfence  }
0xb7: {  	s30 =	sld [smem:$0x0];
	_ =	sdelay $0x2  }
0xb8: {  	s31 =	sshll.u32 s1, $0xD;
	s1 =	sshrl.u32 s1, $0x2  }
0xb9: {  	s3 =	sand.u32 $0x4000, s31;
	s1 =	sadd.s32 s1, s30  }
0xba: {  	s0 =	sor.u32 s3, s0;
	s1 =	sshll.u32 s1, $0x11  }
0xbb: {  	s0 =	sor.u32 s1, s0  }
0xbc: {  	s0 =	sadd.s32 $0x8F2B, s0  }
0xbd: {  	[sflag:s0] =	ssyncadd.remote.s32 $0x1  }
0xbe: {  	_ =	sfence.sel $0xFFFF  }
0xbf: {  	[dreg:$0x0] =	wrdreg $0xFFFFFFFF;
	(pc) =	sbr.abs _section_cstart, $3  }
0xc0: {  	[dreg:$0x1] =	wrdreg $0xFFFFFFFF  }
0xc1: {  	_ =	task.clear_ibuf [dreg:s7], $0x2FFFF;
	_ =	strace $0x9FFFFFFF  }
0xc2: {  	(tm) =	ssettm $0x7FFFFFFF  }
0xc3: {  	_ =	shalt  }
tec
execute0_lowered:
.L_overlay_start_1:
0x0: {  	(tag) =	ssettag $0x1  }
0x1: {  	v0 =	vimm.s32 $0xFEDCBA98  }
0x2: {  	v1 =	vimm.s32 $0x76543210;
	s2 =	srdreg.scid;
	s1 =	rddreg [dreg:$0x0];
	v2 =	vimm.s32 $0xBA98FEDC;
	v3 =	vimm.s32 $0x32107654  }
0x3: {  	s0 =	stileid.u32;
	s6 =	rddreg [dreg:$0x1];
	v4 =	vimm.s32 $0xDCFE98BA;
	v5 =	vimm.s32 $0x54761032;
	v6 =	vimm.s32 $0xEFCDAB89  }
0x4: {  	v7 =	vimm.s32 $0x67452301;
	s9 =	simm.s32 $0x3;
	s10 =	simm.s32 $0x190;
	s11 =	simm.s32 $0x400;
	v0 =	vunpack.c.l.s4.s8 v0;
	v1 =	vunpack.c.l.s4.s8 v1  }
0x5: {  	s12 =	simm.s32 $0x1;
	s13 =	simm.s32 $0x200;
	s14 =	simm.s32 $0xCC00;
	v2 =	vunpack.c.l.s4.s8 v2;
	v3 =	vunpack.c.l.s4.s8 v3;
	v4 =	vunpack.c.l.s4.s8 v4  }
0x6: {  	s15 =	simm.s32 $0x2;
	s16 =	simm.s32 $0x0;
	s5 =	sand.u32 $0x1, s2;
	v5 =	vunpack.c.l.s4.s8 v5;
	v6 =	vunpack.c.l.s4.s8 v6;
	v7 =	vunpack.c.l.s4.s8 v7  }
.Ltmp0:
0x7: {  	s3 =	sshll.u32 s0, $0x1;
	s2 =	simm.s32 $0x0;
	v0 =	vunpack.c.0.s8.s32 v0;
	v1 =	vunpack.c.0.s8.s32 v1;
	v2 =	vunpack.c.0.s8.s32 v2;
	(pc) =	sbr.rel .LBB2_1-.Ltmp0, $4  }
0x8: {  	s3 =	sor.u32 s5, s3;
	[smem:$0x7FF] =	sst s2;
	s7 =	ssub.s32 $0x2, s5;
	v3 =	vunpack.c.0.s8.s32 v3;
	v4 =	vunpack.c.0.s8.s32 v4;
	v5 =	vunpack.c.0.s8.s32 v5  }
0x9: {  	s5 =	sadd.s32 $0xF42E00, s6;
	s4 =	smul.u32 $0x6400, s3;
	s8 =	sshrl.u32 s7, $0x1;
	v6 =	vunpack.c.0.s8.s32 v6;
	v7 =	vunpack.c.0.s8.s32 v7;
	v0 =	vand.u32 $0xF, v0  }
0xa: {  	s6 =	sadd.s32 $0xA00, s6;
	s3 =	rddreg [dreg:$0x2];
	s8 =	ssub.s32 s7, s8;
	v0 =	vcombine.low v0, v1;
	v1 =	vcombine.low v3, v2  }
0xb: {  	_ =	strace $0x80000047;
	s7 =	sor.u32 $0x190, s4;
	s8 =	smax.u32 s8, $0x1;
	v2 =	vcombine.low v5, v4;
	v3 =	vimm.s32 $0x0;
	v4 =	vcombine.low v7, v6  }
.LBB2_17:
0xc: {  	s16 =	sadd.s32 $0x1, s16  }
0xd: {  	_ =	swait.ge [sflag:s15], $0xC800;
	p0 =	sne.s32 s16, s8  }
.Ltmp1:
0xe: {  	[sflag:s15] =	ssyncset.done $0x0;
	(pc) =	sbr.rel @!p0 .LBB2_18-.Ltmp1, $4  }
0xf: {  	[sflag:s15] =	ssyncadd.s32 $0xFFFF3800  }
0x10: {  	_ =	swait.ge [sflag:s15], $0xC800  }
0x11: {  	[sflag:s15] =	ssyncset.done $0x0  }
0x12: {  	[sflag:s15] =	ssyncadd.s32 $0xFFFF3800  }
.LBB2_1:
.Ltmp2:
0x13: {  	(pc) =	sbr.rel .LBB2_2-.Ltmp2, $2  }
0x14: {  	_ =	sdelay $0x2  }
0x15: {  	s17 =	simm.s32 $0x0  }
.LBB2_16:
0x16: {  	s19 =	simm.s32 @!p0 $0x2  }
0x17: {  	_ =	swait.ge @!p0 [sflag:s19], $0xC800  }
0x18: {  	s17 =	sadd.s32 $0x1, s17;
	[sflag:s19] =	ssyncset.done @!p0 $0x0  }
0x19: {  	[sflag:s19] =	ssyncadd.s32 @!p0 $0xFFFF3800;
	p0 =	sne.s32 s17, $0x20  }
.Ltmp3:
0x1a: {  	_ = 	snop;
	(pc) =	sbr.rel @!p0 .LBB2_17-.Ltmp3, $4  }
0x1b: {  	_ = 	snop  }
0x1c: {  	s18 =	sshll.u32 s18, $0x4  }
0x1d: {  	s18 =	sadd.s32 s6, s18  }
0x1e: {  	[hbm4b:s18+s2] =	stream.linear.scatter [tilespmem:s14], [sflag:$0x2], $0xC800, $0x38;
	[tilespmem:$0x19400] =	vst v63  }
.LBB2_2:
0x1f: {  	s18 =	smul.u32 $0x320, s17;
	_ =	sdelay $0x1  }
0x20: {  	s19 =	sadd.s32 s4, s18  }
0x21: {  	s20 =	sshrl.u32 s19, $0x3  }
0x22: {  	s21 =	simm.s32 $0x0;
	s20 =	sadd.s32 s1, s20  }
0x23: {  	[tilespmem:s21], [sflag:$0x3] =	stream.linear.gather [hbm4b:s20+s21], $0x190, $0x38;
	[tilespmem:$0x19400] =	vst v63  }
0x24: {  	_ =	swait.ge [sflag:s9], $0x190  }
0x25: {  	[sflag:s9] =	ssyncset.done $0x0  }
0x26: {  	s31 =	simm.s32 $0x0;
	[sflag:s9] =	ssyncadd.s32 $0xFFFFFE70  }
0x27: {  	[tilespmem:s11], [sflag:$0x1] =	stream.indirect.gather [hbm4b:s5+s10], $0x80, s21, s10, $0xb8;
	[tilespmem:$0x19400] =	vst v63  }
0x28: {  	v6 =	vld [tilespmem:s31+$0x0]  }
0x29: {  	v5 =	vimm.s32 $0x0;
	s20 =	simm.s32 $0x40  }
.LBB2_3:
0x2a: {  	p0 =	sne.s32 s20, $0x600  }
.Ltmp4:
0x2b: {  	_ = 	snop;
	(pc) =	sbr.rel @p0 .LBB2_3-.Ltmp4, $4  }
0x2c: {  	_ = 	snop  }
0x2d: {  	s21 =	sshra.s32 s20, $0x2;
	s20 =	sadd.s32 $0x40, s20;
	vm0 =	veq.s32 v6, $0xF423F  }
0x2e: {  	v6 =	vld [tilespmem:s21+$0x0];
	v7 =	vsel vm0, $0x1, v3  }
0x2f: {  	v5 =	vor.u32 v7, v5  }
0x30: {  	_ =	sdelay $0x2  }
0x31: {  	vm0 =	veq.s32 v6, $0xF423F  }
0x32: {  	v6 =	vsel vm0, $0x1, v3  }
0x33: {  	v5 =	vor.u32 v6, v5  }
0x34: {  	v6 =	vperm.xlane v5, v0;
	_ =	sdelay $0x1  }
0x35: {  	v5 =	vor.u32 v5, v6  }
0x36: {  	v6 =	vperm.xlane v5, v1;
	_ =	sdelay $0x1  }
0x37: {  	v5 =	vor.u32 v6, v5  }
0x38: {  	v6 =	vperm.xlane v5, v2;
	_ =	sdelay $0x1  }
0x39: {  	v5 =	vor.u32 v6, v5  }
0x3a: {  	v6 =	vperm.xlane v5, v4;
	_ =	sdelay $0x1  }
0x3b: {  	v5 =	vor.u32 v6, v5  }
0x3c: {  	(v2sf) =	vpush v5, $0x0;
	_ =	sdelay $0xe  }
0x3d: {  	s20 =	spop (v2sf)  }
0x3e: {  	p0 =	slt.s32 s20, $0x1  }
.Ltmp5:
0x3f: {  	_ = 	snop;
	(pc) =	sbr.rel @p0 .LBB2_9-.Ltmp5, $4  }
0x40: {  	_ = 	snop  }
0x41: {  	_ =	swait.ge [sflag:s12], $0xC800  }
0x42: {  	[sflag:s12] =	ssyncset.done $0x0  }
0x43: {  	[sflag:s12] =	ssyncadd.s32 $0xFFFF3800  }
.Ltmp6:
0x44: {  	(pc) =	sbr.rel .LBB2_6-.Ltmp6, $2  }
0x45: {  	_ =	sdelay $0x2  }
0x46: {  	s20 =	simm.s32 $0x0;
	s21 =	simm.s32 $0x800  }
.LBB2_8:
0x47: {  	s20 =	sadd.s32 $0x40, s20  }
0x48: {  	p0 =	sne.s32 s20, $0x640  }
.Ltmp7:
0x49: {  	_ = 	snop;
	(pc) =	sbr.rel @!p0 .LBB2_9-.Ltmp7, $2  }
0x4a: {  	_ =	sdelay $0x2  }
0x4b: {  	s21 =	sadd.s32 $0x800, s21  }
.LBB2_6:
0x4c: {  	s22 =	sshra.s32 s20, $0x2  }
0x4d: {  	v5 =	vld [tilespmem:s22+$0x0];
	_ =	sdelay $0x4  }
0x4e: {  	vm0 =	veq.s32 v5, $0xF423F  }
0x4f: {  	v6 =	vsel vm0, $0x1, v3  }
0x50: {  	v7 =	vperm.xlane v6, v0;
	_ =	sdelay $0x1  }
0x51: {  	v6 =	vor.u32 v6, v7  }
0x52: {  	v7 =	vperm.xlane v6, v1;
	_ =	sdelay $0x1  }
0x53: {  	v6 =	vor.u32 v7, v6  }
0x54: {  	v7 =	vperm.xlane v6, v2;
	_ =	sdelay $0x1  }
0x55: {  	v6 =	vor.u32 v7, v6  }
0x56: {  	v7 =	vperm.xlane v6, v4;
	_ =	sdelay $0x1  }
0x57: {  	v6 =	vor.u32 v7, v6  }
0x58: {  	(v2sf) =	vpush v6, $0x0;
	_ =	sdelay $0xe  }
0x59: {  	s31 =	spop (v2sf)  }
0x5a: {  	p0 =	slt.s32 s31, $0x1  }
.Ltmp8:
0x5b: {  	_ = 	snop;
	(pc) =	sbr.rel @p0 .LBB2_8-.Ltmp8, $1  }
0x5c: {  	_ =	sdelay $0x3  }
0x5d: {  	(v2sf) =	vpush v5, $0x0;
	_ =	sdelay $0x1  }
0x5e: {  	(v2sf) =	vpush v5, $0x1;
	_ =	sdelay $0x1  }
0x5f: {  	(v2sf) =	vpush v5, $0x2;
	_ =	sdelay $0x1  }
0x60: {  	(v2sf) =	vpush v5, $0x3;
	_ =	sdelay $0x1  }
0x61: {  	(v2sf) =	vpush v5, $0x4;
	_ =	sdelay $0x1  }
0x62: {  	(v2sf) =	vpush v5, $0x5;
	_ =	sdelay $0x1  }
0x63: {  	(v2sf) =	vpush v5, $0x6;
	_ =	sdelay $0x1  }
0x64: {  	(v2sf) =	vpush v5, $0x7  }
0x65: {  	s22 =	spop (v2sf)  }
0x66: {  	(v2sf) =	vpush v5, $0x8;
	p0 =	sne.s32 s22, $0xF423F  }
0x67: {  	s24 =	spop (v2sf);
	v6 =	vimm.f32 @!p0 $0.0e+00  }
0x68: {  	(v2sf) =	vpush v5, $0x9;
	p1 =	sne.s32 s24, $0xF423F;
	[tilespmem:s21+$0xFFFFFC00] =	vst @!p0 v6  }
0x69: {  	s25 =	spop (v2sf);
	[tilespmem:s21+$0xFFFFFC10] =	vst @!p0 v6;
	v6 =	vimm.f32 @!p1 $0.0e+00  }
0x6a: {  	(v2sf) =	vpush v5, $0xA;
	p0 =	sne.s32 s25, $0xF423F;
	[tilespmem:s21+$0xFFFFFC80] =	vst @!p1 v6  }
0x6b: {  	s26 =	spop (v2sf);
	[tilespmem:s21+$0xFFFFFC90] =	vst @!p1 v6;
	v6 =	vimm.f32 @!p0 $0.0e+00  }
0x6c: {  	(v2sf) =	vpush v5, $0xB;
	p1 =	sne.s32 s26, $0xF423F;
	[tilespmem:s21+$0xFFFFFD00] =	vst @!p0 v6  }
0x6d: {  	s28 =	spop (v2sf);
	[tilespmem:s21+$0xFFFFFD10] =	vst @!p0 v6;
	v6 =	vimm.f32 @!p1 $0.0e+00  }
0x6e: {  	(v2sf) =	vpush v5, $0xC;
	p0 =	sne.s32 s28, $0xF423F;
	[tilespmem:s21+$0xFFFFFD80] =	vst @!p1 v6  }
0x6f: {  	s29 =	spop (v2sf);
	[tilespmem:s21+$0xFFFFFD90] =	vst @!p1 v6;
	v6 =	vimm.f32 @!p0 $0.0e+00  }
0x70: {  	(v2sf) =	vpush v5, $0xD;
	p1 =	sne.s32 s29, $0xF423F;
	[tilespmem:s21+$0xFFFFFE00] =	vst @!p0 v6  }
0x71: {  	s30 =	spop (v2sf);
	[tilespmem:s21+$0xFFFFFE10] =	vst @!p0 v6;
	v6 =	vimm.f32 @!p1 $0.0e+00  }
0x72: {  	(v2sf) =	vpush v5, $0xE;
	p0 =	sne.s32 s30, $0xF423F;
	[tilespmem:s21+$0xFFFFFE80] =	vst @!p1 v6  }
0x73: {  	s31 =	spop (v2sf);
	[tilespmem:s21+$0xFFFFFE90] =	vst @!p1 v6;
	v6 =	vimm.f32 @!p0 $0.0e+00  }
0x74: {  	(v2sf) =	vpush v5, $0xF;
	p1 =	sne.s32 s31, $0xF423F;
	[tilespmem:s21+$0xFFFFFF00] =	vst @!p0 v6  }
0x75: {  	[tilespmem:s21+$0xFFFFFF10] =	vst @!p0 v6;
	v5 =	vimm.f32 @!p1 $0.0e+00;
	s23 =	spop (v2sf)  }
0x76: {  	[tilespmem:s21+$0xFFFFFF80] =	vst @!p1 v5;
	p0 =	sne.s32 s23, $0xF423F  }
0x77: {  	[tilespmem:s21+$0xFFFFFF90] =	vst @!p1 v5;
	s24 =	spop (v2sf);
	v5 =	vimm.f32 @!p0 $0.0e+00  }
0x78: {  	p1 =	sne.s32 s24, $0xF423F;
	[tilespmem:s21+$0x0] =	vst @!p0 v5  }
0x79: {  	s25 =	spop (v2sf);
	[tilespmem:s21+$0x10] =	vst @!p0 v5;
	v5 =	vimm.f32 @!p1 $0.0e+00  }
0x7a: {  	p0 =	sne.s32 s25, $0xF423F;
	[tilespmem:s21+$0x80] =	vst @!p1 v5  }
0x7b: {  	s26 =	spop (v2sf);
	[tilespmem:s21+$0x90] =	vst @!p1 v5;
	v5 =	vimm.f32 @!p0 $0.0e+00  }
0x7c: {  	p1 =	sne.s32 s26, $0xF423F;
	[tilespmem:s21+$0x100] =	vst @!p0 v5  }
0x7d: {  	s28 =	spop (v2sf);
	[tilespmem:s21+$0x110] =	vst @!p0 v5;
	v5 =	vimm.f32 @!p1 $0.0e+00  }
0x7e: {  	p0 =	sne.s32 s28, $0xF423F;
	[tilespmem:s21+$0x180] =	vst @!p1 v5  }
0x7f: {  	s29 =	spop (v2sf);
	[tilespmem:s21+$0x190] =	vst @!p1 v5;
	v5 =	vimm.f32 @!p0 $0.0e+00  }
0x80: {  	p1 =	sne.s32 s29, $0xF423F;
	[tilespmem:s21+$0x200] =	vst @!p0 v5  }
0x81: {  	s30 =	spop (v2sf);
	[tilespmem:s21+$0x210] =	vst @!p0 v5;
	v5 =	vimm.f32 @!p1 $0.0e+00  }
0x82: {  	p0 =	sne.s32 s30, $0xF423F;
	[tilespmem:s21+$0x280] =	vst @!p1 v5  }
.Ltmp9:
0x83: {  	s31 =	spop (v2sf);
	[tilespmem:s21+$0x290] =	vst @!p1 v5;
	v5 =	vimm.f32 @!p0 $0.0e+00;
	(pc) =	sbr.rel .LBB2_8-.Ltmp9, $4  }
0x84: {  	p1 =	sne.s32 s31, $0xF423F;
	[tilespmem:s21+$0x300] =	vst @!p0 v5  }
0x85: {  	[tilespmem:s21+$0x310] =	vst @!p0 v5;
	v5 =	vimm.f32 @!p1 $0.0e+00  }
0x86: {  	[tilespmem:s21+$0x380] =	vst @!p1 v5  }
0x87: {  	[tilespmem:s21+$0x390] =	vst @!p1 v5  }
.LBB2_9:
0x88: {  	p0 =	seq.s32 s17, $0x0  }
0x89: {  	s20 =	simm.s32 @!p0 $0x2  }
0x8a: {  	s19 =	sshll.u32 s19, $0x4;
	_ =	swait.ge @!p0 [sflag:s20], $0xC800  }
0x8b: {  	s29 =	simm.s32 $0x0;
	s18 =	sadd.s32 s18, s7;
	[sflag:s20] =	ssyncset.done @!p0 $0x0  }
0x8c: {  	s19 =	sadd.s32 s6, s19;
	s30 =	sshrl.u32 s18, $0x3;
	[sflag:s20] =	ssyncadd.s32 @!p0 $0xFFFF3800  }
0x8d: {  	[hbm4b:s19+s29] =	stream.linear.scatter [tilespmem:s11], [sflag:$0x2], $0xC800, $0x38;
	[tilespmem:$0x19400] =	vst v63  }
0x8e: {  	s19 =	sadd.s32 s1, s30  }
0x8f: {  	[tilespmem:s13], [sflag:$0x3] =	stream.linear.gather [hbm4b:s19+s29], $0x190, $0x38;
	[tilespmem:$0x19400] =	vst v63  }
0x90: {  	_ =	swait.ge [sflag:s9], $0x190  }
0x91: {  	[sflag:s9] =	ssyncset.done $0x0  }
0x92: {  	s31 =	simm.s32 $0x0;
	[sflag:s9] =	ssyncadd.s32 $0xFFFFFE70  }
0x93: {  	[tilespmem:s14], [sflag:$0x1] =	stream.indirect.gather [hbm4b:s5+s10], $0x80, s13, s10, $0xb8;
	[tilespmem:$0x19400] =	vst v63  }
0x94: {  	v6 =	vld [tilespmem:s31+$0x200]  }
0x95: {  	v5 =	vimm.s32 $0x0;
	s19 =	simm.s32 $0x40  }
.LBB2_10:
0x96: {  	p1 =	sne.s32 s19, $0x600  }
.Ltmp10:
0x97: {  	_ = 	snop;
	(pc) =	sbr.rel @p1 .LBB2_10-.Ltmp10, $4  }
0x98: {  	_ = 	snop  }
0x99: {  	s20 =	sshra.s32 s19, $0x2;
	s19 =	sadd.s32 $0x40, s19;
	vm0 =	veq.s32 v6, $0xF423F  }
0x9a: {  	v6 =	vld [tilespmem:s20+$0x200];
	v7 =	vsel vm0, $0x1, v3  }
0x9b: {  	v5 =	vor.u32 v7, v5  }
0x9c: {  	_ =	sdelay $0x2  }
0x9d: {  	vm0 =	veq.s32 v6, $0xF423F  }
0x9e: {  	v6 =	vsel vm0, $0x1, v3  }
0x9f: {  	v5 =	vor.u32 v6, v5  }
0xa0: {  	v6 =	vperm.xlane v5, v0;
	_ =	sdelay $0x1  }
0xa1: {  	v5 =	vor.u32 v5, v6  }
0xa2: {  	v6 =	vperm.xlane v5, v1;
	_ =	sdelay $0x1  }
0xa3: {  	v5 =	vor.u32 v6, v5  }
0xa4: {  	v6 =	vperm.xlane v5, v2;
	_ =	sdelay $0x1  }
0xa5: {  	v5 =	vor.u32 v6, v5  }
0xa6: {  	v6 =	vperm.xlane v5, v4;
	_ =	sdelay $0x1  }
0xa7: {  	v5 =	vor.u32 v6, v5  }
0xa8: {  	(v2sf) =	vpush v5, $0x0;
	_ =	sdelay $0xe  }
0xa9: {  	s19 =	spop (v2sf)  }
0xaa: {  	p1 =	slt.s32 s19, $0x1  }
.Ltmp11:
0xab: {  	_ = 	snop;
	(pc) =	sbr.rel @p1 .LBB2_16-.Ltmp11, $4  }
0xac: {  	_ = 	snop  }
0xad: {  	_ =	swait.ge [sflag:s12], $0xC800  }
0xae: {  	[sflag:s12] =	ssyncset.done $0x0  }
0xaf: {  	[sflag:s12] =	ssyncadd.s32 $0xFFFF3800  }
.Ltmp12:
0xb0: {  	(pc) =	sbr.rel .LBB2_13-.Ltmp12, $2  }
0xb1: {  	_ =	sdelay $0x2  }
0xb2: {  	s19 =	simm.s32 $0x0;
	s20 =	simm.s32 $0xD000  }
.LBB2_15:
0xb3: {  	s19 =	sadd.s32 $0x40, s19  }
0xb4: {  	p1 =	sne.s32 s19, $0x640  }
.Ltmp13:
0xb5: {  	_ = 	snop;
	(pc) =	sbr.rel @!p1 .LBB2_16-.Ltmp13, $2  }
0xb6: {  	_ =	sdelay $0x2  }
0xb7: {  	s20 =	sadd.s32 $0x800, s20  }
.LBB2_13:
0xb8: {  	s21 =	sshra.s32 s19, $0x2  }
0xb9: {  	v5 =	vld [tilespmem:s21+$0x200];
	_ =	sdelay $0x4  }
0xba: {  	vm0 =	veq.s32 v5, $0xF423F  }
0xbb: {  	v6 =	vsel vm0, $0x1, v3  }
0xbc: {  	v7 =	vperm.xlane v6, v0;
	_ =	sdelay $0x1  }
0xbd: {  	v6 =	vor.u32 v6, v7  }
0xbe: {  	v7 =	vperm.xlane v6, v1;
	_ =	sdelay $0x1  }
0xbf: {  	v6 =	vor.u32 v7, v6  }
0xc0: {  	v7 =	vperm.xlane v6, v2;
	_ =	sdelay $0x1  }
0xc1: {  	v6 =	vor.u32 v7, v6  }
0xc2: {  	v7 =	vperm.xlane v6, v4;
	_ =	sdelay $0x1  }
0xc3: {  	v6 =	vor.u32 v7, v6  }
0xc4: {  	(v2sf) =	vpush v6, $0x0;
	_ =	sdelay $0xe  }
0xc5: {  	s31 =	spop (v2sf)  }
0xc6: {  	p1 =	slt.s32 s31, $0x1  }
.Ltmp14:
0xc7: {  	_ = 	snop;
	(pc) =	sbr.rel @p1 .LBB2_15-.Ltmp14, $1  }
0xc8: {  	_ =	sdelay $0x3  }
0xc9: {  	(v2sf) =	vpush v5, $0x0;
	_ =	sdelay $0x1  }
0xca: {  	(v2sf) =	vpush v5, $0x1;
	_ =	sdelay $0x1  }
0xcb: {  	(v2sf) =	vpush v5, $0x2;
	_ =	sdelay $0x1  }
0xcc: {  	(v2sf) =	vpush v5, $0x3;
	_ =	sdelay $0x1  }
0xcd: {  	(v2sf) =	vpush v5, $0x4;
	_ =	sdelay $0x1  }
0xce: {  	(v2sf) =	vpush v5, $0x5;
	_ =	sdelay $0x1  }
0xcf: {  	(v2sf) =	vpush v5, $0x6;
	_ =	sdelay $0x1  }
0xd0: {  	(v2sf) =	vpush v5, $0x7  }
0xd1: {  	s21 =	spop (v2sf)  }
0xd2: {  	(v2sf) =	vpush v5, $0x8;
	p1 =	sne.s32 s21, $0xF423F  }
0xd3: {  	s25 =	spop (v2sf);
	v6 =	vimm.f32 @!p1 $0.0e+00  }
0xd4: {  	(v2sf) =	vpush v5, $0x9;
	p2 =	sne.s32 s25, $0xF423F;
	[tilespmem:s20+$0xFFFFFC00] =	vst @!p1 v6  }
0xd5: {  	s26 =	spop (v2sf);
	[tilespmem:s20+$0xFFFFFC10] =	vst @!p1 v6;
	v6 =	vimm.f32 @!p2 $0.0e+00  }
0xd6: {  	(v2sf) =	vpush v5, $0xA;
	p1 =	sne.s32 s26, $0xF423F;
	[tilespmem:s20+$0xFFFFFC80] =	vst @!p2 v6  }
0xd7: {  	s28 =	spop (v2sf);
	[tilespmem:s20+$0xFFFFFC90] =	vst @!p2 v6;
	v6 =	vimm.f32 @!p1 $0.0e+00  }
0xd8: {  	(v2sf) =	vpush v5, $0xB;
	p2 =	sne.s32 s28, $0xF423F;
	[tilespmem:s20+$0xFFFFFD00] =	vst @!p1 v6  }
0xd9: {  	s29 =	spop (v2sf);
	[tilespmem:s20+$0xFFFFFD10] =	vst @!p1 v6;
	v6 =	vimm.f32 @!p2 $0.0e+00  }
0xda: {  	(v2sf) =	vpush v5, $0xC;
	p1 =	sne.s32 s29, $0xF423F;
	[tilespmem:s20+$0xFFFFFD80] =	vst @!p2 v6  }
0xdb: {  	s30 =	spop (v2sf);
	[tilespmem:s20+$0xFFFFFD90] =	vst @!p2 v6;
	v6 =	vimm.f32 @!p1 $0.0e+00  }
0xdc: {  	(v2sf) =	vpush v5, $0xD;
	p2 =	sne.s32 s30, $0xF423F;
	[tilespmem:s20+$0xFFFFFE00] =	vst @!p1 v6  }
0xdd: {  	s31 =	spop (v2sf);
	[tilespmem:s20+$0xFFFFFE10] =	vst @!p1 v6;
	v6 =	vimm.f32 @!p2 $0.0e+00  }
0xde: {  	(v2sf) =	vpush v5, $0xE;
	p1 =	sne.s32 s31, $0xF423F;
	[tilespmem:s20+$0xFFFFFE80] =	vst @!p2 v6  }
0xdf: {  	s22 =	spop (v2sf);
	[tilespmem:s20+$0xFFFFFE90] =	vst @!p2 v6;
	v6 =	vimm.f32 @!p1 $0.0e+00  }
0xe0: {  	(v2sf) =	vpush v5, $0xF;
	p2 =	sne.s32 s22, $0xF423F;
	[tilespmem:s20+$0xFFFFFF00] =	vst @!p1 v6  }
0xe1: {  	[tilespmem:s20+$0xFFFFFF10] =	vst @!p1 v6;
	v5 =	vimm.f32 @!p2 $0.0e+00;
	s23 =	spop (v2sf)  }
0xe2: {  	[tilespmem:s20+$0xFFFFFF80] =	vst @!p2 v5;
	p1 =	sne.s32 s23, $0xF423F  }
0xe3: {  	[tilespmem:s20+$0xFFFFFF90] =	vst @!p2 v5;
	s24 =	spop (v2sf);
	v5 =	vimm.f32 @!p1 $0.0e+00  }
0xe4: {  	p2 =	sne.s32 s24, $0xF423F;
	[tilespmem:s20+$0x0] =	vst @!p1 v5  }
0xe5: {  	s25 =	spop (v2sf);
	[tilespmem:s20+$0x10] =	vst @!p1 v5;
	v5 =	vimm.f32 @!p2 $0.0e+00  }
0xe6: {  	p1 =	sne.s32 s25, $0xF423F;
	[tilespmem:s20+$0x80] =	vst @!p2 v5  }
0xe7: {  	s26 =	spop (v2sf);
	[tilespmem:s20+$0x90] =	vst @!p2 v5;
	v5 =	vimm.f32 @!p1 $0.0e+00  }
0xe8: {  	p2 =	sne.s32 s26, $0xF423F;
	[tilespmem:s20+$0x100] =	vst @!p1 v5  }
0xe9: {  	s28 =	spop (v2sf);
	[tilespmem:s20+$0x110] =	vst @!p1 v5;
	v5 =	vimm.f32 @!p2 $0.0e+00  }
0xea: {  	p1 =	sne.s32 s28, $0xF423F;
	[tilespmem:s20+$0x180] =	vst @!p2 v5  }
0xeb: {  	s29 =	spop (v2sf);
	[tilespmem:s20+$0x190] =	vst @!p2 v5;
	v5 =	vimm.f32 @!p1 $0.0e+00  }
0xec: {  	p2 =	sne.s32 s29, $0xF423F;
	[tilespmem:s20+$0x200] =	vst @!p1 v5  }
0xed: {  	s30 =	spop (v2sf);
	[tilespmem:s20+$0x210] =	vst @!p1 v5;
	v5 =	vimm.f32 @!p2 $0.0e+00  }
0xee: {  	p1 =	sne.s32 s30, $0xF423F;
	[tilespmem:s20+$0x280] =	vst @!p2 v5  }
.Ltmp15:
0xef: {  	s31 =	spop (v2sf);
	[tilespmem:s20+$0x290] =	vst @!p2 v5;
	v5 =	vimm.f32 @!p1 $0.0e+00;
	(pc) =	sbr.rel .LBB2_15-.Ltmp15, $4  }
0xf0: {  	p2 =	sne.s32 s31, $0xF423F;
	[tilespmem:s20+$0x300] =	vst @!p1 v5  }
0xf1: {  	[tilespmem:s20+$0x310] =	vst @!p1 v5;
	v5 =	vimm.f32 @!p2 $0.0e+00  }
0xf2: {  	[tilespmem:s20+$0x380] =	vst @!p2 v5  }
0xf3: {  	[tilespmem:s20+$0x390] =	vst @!p2 v5  }
.LBB2_18:
0xf4: {  	_ =	sfence.sel $0x180000  }
0xf5: {  	[bflag:$0x0] =	sbarrier.arrive $0xFFFF  }
0xf6: {  	p0 =	sne.s32 s0, $0x0;
	_ =	strace $0x90000047  }
0xf7: {  	s0 =	sadd.s32 @!p0 $0x100000, s3;
	[bflag:$0x2] =	sbarrier.arrive $0xFFFF  }
0xf8: {  	[sflag:s0] =	ssyncadd.tile.s32 @!p0 $0x1;
	_ =	shalt  }
.Lfunc_end2:
_tile_overlayer_lowered:
.L_overlay_start_2:
0xf9: {  	(tag) =	ssettag $0x2  }
0xfa: {  	s0 =	rddreg [dreg:$0x0];
	s2 =	stileid.u32  }
0xfb: {  	s1 =	rddreg [dreg:$0x1];
	p0 =	sne.s32 s2, $0x0  }
0xfc: {  	s3 =	rddreg [dreg:$0x2];
	[bflag:$0x3] =	sbarrier.arrive $0xFFFF;
	s2 =	simm.s32 @!p0 $0x1C03  }
0xfd: {  	[timem:s3], [sflag:s2] =	dma.local @!p0 [hbm:s0], s1  }
0xfe: {  	s0 =	simm.s32 @!p0 $0x3  }
0xff: {  	_ =	swait.ge @!p0 [sflag:s0], s1  }
0x100: {  	s1 =	ssub.s32 @!p0 $0x0, s1;
	[sflag:s0] =	ssyncset.done @!p0 $0x0  }
0x101: {  	[sflag:s0] =	ssyncadd.s32 @!p0 s1  }
0x102: {  	[bflag:$0x3] =	sbarrier.arrive $0xFFFF  }
0x103: {  	_ =	shalt  }

// kernel: sparse-core-data-format-call.cloned.1.call-start
scs
called_computation_lowered:
.L_overlay_start_0:
0x0: {  	s2 =	sld [smem:$0x3FD9]  }
0x1: {  	s3 =	sld [smem:$0x3FFE];
	_ =	sdelay $0x1  }
0x2: {  	s1 =	srdreg.scid  }
0x3: {  	s0 =	sand.u32 $0x1, s1  }
0x4: {  	s18 =	sshll.u32 s0, $0xA;
	s2 =	sadd.s32 s3, s2  }
0x5: {  	s2 =	sadd.s32 s2, s18  }
0x6: {  	[smem:$0x3FC6] =	sst s2  }
0x7: {  	_ = 	snop  }
0x8: {  	s2 =	sld [smem:$0x3FD0];
	(tm) =	ssettm $0x1  }
0x9: {  	s19 =	sld [smem:$0x3FFB];
	_ =	sdelay $0x3  }
0xa: {  	_ =	strace s19  }
0xb: {  	s3 =	sld [smem:$0x3FFC];
	_ =	sdelay $0x3  }
0xc: {  	_ =	strace s3  }
0xd: {  	s3 =	sld [smem:$0x3FFD];
	_ =	sdelay $0x3  }
0xe: {  	_ =	strace s3  }
0xf: {  	_ =	strace $0x8FFFFFFF  }
0x10: {  	s20 =	sld [smem:$0x3FDB];
	_ =	sdelay $0x1  }
0x11: {  	s4 =	simm.s32 $_scs_section_size  }
0x12: {  	s5 =	simm.s32 $_size__tile_overlayer_lowered;
	s6 =	simm.s32 $_tile_overlayer_lowered  }
0x13: {  	s23 =	simm.s32 $0x1BFF;
	s22 =	sshll.u32 s6, $0x1;
	s3 =	sadd.s32 s4, s20  }
0x14: {  	s7 =	simm.s32 $0x0;
	s21 =	sshll.u32 s5, $0x1;
	s5 =	sadd.s32 s22, s3  }
0x15: {  	[timem:s7], [sflag:s23] =	dma.local [hbm:s5], s21  }
0x16: {  	_ =	swait.ge [sflag:s23], s21  }
0x17: {  	s4 =	ssub.s32 $0x0, s21;
	[sflag:s23] =	ssyncset.done $0x0  }
0x18: {  	[sflag:s23] =	ssyncadd.s32 s4;
	_ =	sdelay $0x1  }
0x19: {  	s24 =	simm.s32 $0x1B8B  }
0x1a: {  	_ =	swait.ge [sflag:s24], $0x1  }
0x1b: {  	[sflag:s24] =	ssyncset.done $0x0  }
0x1c: {  	s26 =	simm.s32 $0x1B8E;
	s25 =	sld [smem:$0x3FFE];
	[sflag:s24] =	ssyncadd.s32 $0xFFFFFFFF  }
0x1d: {  	s27 =	simm.s32 $execute0_lowered;
	[smem:$0x3FD2] =	sst s26  }
0x1e: {  	s5 =	sshll.u32 s27, $0x1;
	_ =	strace $0x80000049;
	[dreg:$0x1] =	wrdreg $0xFFFFFFFF  }
0x1f: {  	s28 =	simm.s32 $_size_execute0_lowered;
	s3 =	sadd.s32 s3, s5;
	[dreg:$0x0] =	wrdreg $0x0  }
0x20: {  	s5 =	sshll.u32 s28, $0x1;
	[dreg:$0x2] =	wrdreg s3  }
0x21: {  	[dreg:$0x3] =	wrdreg s5  }
0x22: {  	[dreg:$0x4] =	wrdreg $0xC0  }
0x23: {  	_ =	task [dreg:s7], $0x5FFFF  }
0x24: {  	[dreg:$0x1] =	wrdreg $0xFFFFFFFF  }
0x25: {  	[dreg:$0x0] =	wrdreg $0x60  }
0x26: {  	[dreg:$0x2] =	wrdreg s25  }
0x27: {  	[dreg:$0x3] =	wrdreg s2  }
0x28: {  	[dreg:$0x4] =	wrdreg $0x9  }
0x29: {  	_ =	task.clear_ibuf [dreg:s7], $0x5FFFF;
	_ =	strace $0x90000049  }
0x2a: {  	s29 =	simm.s32 $0x9;
	_ =	strace $0x8000004B  }
0x2b: {  	_ =	swait.ge [sflag:s29], $0x1  }
0x2c: {  	[sflag:s29] =	ssyncadd.s32 $0xFFFFFFFF  }
0x2d: {  	_ =	strace $0x9000004B  }
0x2e: {  	_ =	sfence  }
0x2f: {  	s30 =	sld [smem:$0x0];
	_ =	sdelay $0x2  }
0x30: {  	s31 =	sshll.u32 s1, $0xD;
	s1 =	sshrl.u32 s1, $0x2  }
0x31: {  	s3 =	sand.u32 $0x4000, s31;
	s1 =	sadd.s32 s1, s30  }
0x32: {  	s0 =	sor.u32 s3, s0;
	s1 =	sshll.u32 s1, $0x11  }
0x33: {  	s0 =	sor.u32 s1, s0  }
0x34: {  	s0 =	sadd.s32 $0x8F2B, s0  }
0x35: {  	[sflag:s0] =	ssyncadd.remote.s32 $0x1  }
0x36: {  	_ =	sfence.sel $0xFFFF  }
0x37: {  	[dreg:$0x0] =	wrdreg $0xFFFFFFFF;
	(pc) =	sbr.abs _section_cstart, $3  }
0x38: {  	[dreg:$0x1] =	wrdreg $0xFFFFFFFF  }
0x39: {  	_ =	task.clear_ibuf [dreg:s7], $0x2FFFF;
	_ =	strace $0x9FFFFFFF  }
0x3a: {  	(tm) =	ssettm $0x7FFFFFFF  }
0x3b: {  	_ =	shalt  }
tec
execute0_lowered:
.L_overlay_start_1:
0x0: {  	(tag) =	ssettag $0x1  }
0x1: {  	s0 =	srdreg.scid  }
0x2: {  	s1 =	sshll.u32 s0, $0x4  }
0x3: {  	s0 =	stileid.u32;
	s1 =	sand.u32 $0x10, s1  }
0x4: {  	s1 =	sor.u32 s0, s1  }
0x5: {  	s6 =	rddreg [dreg:$0x0];
	s4 =	simm.s32 $0x1;
	s2 =	sshll.u32 s1, $0x7  }
0x6: {  	s7 =	simm.s32 $0x2;
	s12 =	simm.s32 $0x0;
	s1 =	ssub.s32 $0x1000, s2  }
0x7: {  	s8 =	simm.s32 $0x8000;
	s13 =	simm.s32 $0x0;
	s3 =	sand.u32 $0xF80, s1  }
0x8: {  	s9 =	simm.s32 $0x0;
	s5 =	sshrl.u32 s1, $0xC;
	p0 =	sne.s32 s3, $0x0  }
.Ltmp0:
0x9: {  	s1 =	rddreg [dreg:$0x2];
	s4 =	simm.s32 @!p0 $0x0;
	(pc) =	sbr.rel .LBB1_1-.Ltmp0, $4  }
0xa: {  	s11 =	simm.s32 $0x0;
	s3 =	rddreg [dreg:$0x1];
	s5 =	sadd.s32 s4, s5  }
0xb: {  	_ =	strace $0x8000004A;
	s4 =	simm.s32 $0x1;
	s5 =	smul.u32 $0xC8, s5  }
0xc: {  	s6 =	sadd.s32 $0xA00, s6;
	s10 =	smov.u32 s2;
	[sflag:s4] =	ssyncpa.u1 $0x0  }
0xd: {  	p0 =	por $0x0, $0x0;
	[sflag:s7] =	ssyncpa.u1 $0x0;
	s7 =	sor.u32 $0x1, s5  }
.LBB1_4:
0xe: {  	s16 =	sshll.u32 s13, $0x3;
	s17 =	sand.u32 $0x78, s13  }
0xf: {  	s30 =	sand.u32 $0x3E00, s13;
	s12 =	sshll.u32 s12, $0xE;
	s16 =	sand.u32 $0xC00, s16  }
0x10: {  	s31 =	sand.u32 $0x7, s13;
	s16 =	sor.u32 s17, s16;
	s17 =	sadd.s32 s3, s30  }
0x11: {  	s13 =	sshll.u32 s31, $0x12;
	s16 =	sshrl.u32 s16, $0x3;
	s12 =	sadd.s32 s12, s17  }
0x12: {  	[tilespmem:s15+$0x0 ss:$0x81] =	vst.msk $0xffff, v0;
	s13 =	sor.u32 $0x400, s13;
	s12 =	sadd.s32 s16, s12  }
0x13: {  	[hbm4b:s12+s13] =	stream.strided.scatter [tilespmem:s14], [sflag:$0x2], $0x1000, s8, s13, $0x20;
	[tilespmem:$0x4040] =	vst v63  }
.LBB1_5:
0x14: {  	s14 =	sadd.s32 $0x1, s9  }
0x15: {  	s12 =	sadd.s32 $0x1000, s10;
	s16 =	smov.u32 s10;
	p2 =	sgt.s32 s14, $0xC7  }
0x16: {  	s16 =	smov.u32 @p2 s12  }
0x17: {  	s14 =	simm.s32 @p2 $0x0;
	p2 =	sgt.s32 s16, $0xFFF  }
0x18: {  	s16 =	smov.u32 @p2 s2;
	p2 =	sne.s32 s11, s7  }
.Ltmp1:
0x19: {  	p1 =	slt.u32 s11, $0x2;
	(pc) =	sbr.rel @!p2 .LBB1_6-.Ltmp1, $4  }
0x1a: {  	s15 =	simm.s32 @!p1 $0x2  }
0x1b: {  	s13 =	smov.u32 s10;
	p0 =	por !p0, !p0;
	_ =	swait.ge @!p1 [sflag:s15], $0x1000  }
0x1c: {  	s12 =	smov.u32 s9;
	[sflag:s15] =	ssyncset.done @!p1 $0x0;
	s9 =	smov.u32 s14  }
0x1d: {  	s11 =	sadd.s32 $0x1, s11;
	[sflag:s15] =	ssyncadd.s32 @!p1 $0xFFFFF000;
	s10 =	smov.u32 s16  }
.LBB1_1:
0x1e: {  	p1 =	sge.u32 s11, s5  }
0x1f: {  	s14 =	sand.u32 @!p1 $0x1FFFFFF, s9  }
0x20: {  	s15 =	smulhi.u32 @!p1 $0x147AE15, s14;
	_ =	sdelay $0x1  }
0x21: {  	s15 =	smul.u32 @!p1 $0xC8, s15  }
0x22: {  	s16 =	sxor.u32 @!p1 $0xFFFFFFFF, s11;
	s17 =	smul.u32 @!p1 $0xC80, s10  }
0x23: {  	s31 =	sadd.s32 $0xFFFFFFFF, s11;
	s16 =	sshll.u32 @!p1 s16, $0xC;
	s14 =	ssub.s32 @!p1 s14, s15  }
0x24: {  	s15 =	sand.u32 @!p1 $0x1000, s16;
	s16 =	sadd.s32 @!p1 s6, s17;
	s14 =	sshll.u32 @!p1 s14, $0x4  }
0x25: {  	s17 =	simm.s32 @!p1 $0x6400;
	s14 =	sadd.s32 @!p1 s14, s16;
	s16 =	simm.s32 @!p1 $0x20  }
0x26: {  	[tilespmem:s15], [sflag:$0x1] =	stream.strided.gather @!p1 [hbm4b:s14+s16], $0x1000, s17, s16, $0x38;
	[tilespmem:$0x4040] =	vst v63  }
0x27: {  	p1 =	sge.u32 s31, s5  }
.Ltmp2:
0x28: {  	_ = 	snop;
	(pc) =	sbr.rel @p1 .LBB1_5-.Ltmp2, $1  }
0x29: {  	_ =	sdelay $0x3  }
0x2a: {  	s14 =	simm.s32 $0x1  }
0x2b: {  	_ =	swait.ge [sflag:s4], $0x1000;
	s14 =	simm.s32 @!p0 $0x0  }
0x2c: {  	[sflag:s4] =	ssyncset.done $0x0;
	s15 =	sshll.u32 s14, $0xC  }
0x2d: {  	[sflag:s4] =	ssyncadd.s32 $0xFFFFF000;
	s18 =	sor.u32 $0x10, s15  }
0x2e: {  	s14 =	smul.u32 $0x4080, s14;
	v1 =	vld [tilespmem:s18+$0x0]  }
0x2f: {  	s30 =	sand.u32 $0x1, s11;
	v0 =	vld [tilespmem:s18+$0xFFFFFFF0]  }
0x30: {  	s15 =	smul.u32 $0x4080, s30;
	s14 =	sshrl.u32 s14, $0x2  }
0x31: {  	s16 =	sor.u32 $0x2000, s14  }
0x32: {  	s31 =	sshrl.u32 s15, $0x2;
	s15 =	sadd.s32 $0x0, s16  }
0x33: {  	s17 =	simm.s32 $0x4;
	s18 =	sadd.s32 $0x20, s18;
	s14 =	sor.u32 $0x2000, s31;
	[tilespmem:s15+$0x810 ss:$0x81] =	vst.msk $0xffff, v1  }
.LBB1_3:
0x34: {  	v1 =	vld [tilespmem:s18+$0x0];
	p1 =	sne.s32 s17, $0x1FC;
	[tilespmem:s15+$0x0 ss:$0x81] =	vst.msk $0xffff, v0;
	s15 =	smov.u32 s17;
	s17 =	sadd.s32 $0x4, s17  }
.Ltmp3:
0x35: {  	v0 =	vld [tilespmem:s18+$0xFFFFFFF0];
	(pc) =	sbr.rel @p1 .LBB1_3-.Ltmp3, $4  }
0x36: {  	_ = 	snop  }
0x37: {  	s15 =	sshra.s32 s15, $0x2  }
0x38: {  	s15 =	sadd.s32 s15, s16  }
0x39: {  	s18 =	sadd.s32 $0x20, s18;
	[tilespmem:s15+$0x810 ss:$0x81] =	vst.msk $0xffff, v1  }
.Ltmp4:
0x3a: {  	_ = 	snop;
	(pc) =	sbr.rel .LBB1_4-.Ltmp4, $1  }
0x3b: {  	_ =	sdelay $0x3  }
.LBB1_6:
0x3c: {  	_ =	sfence.sel $0x180000  }
0x3d: {  	s2 =	simm.s32 $0x1;
	[bflag:$0x0] =	sbarrier.arrive $0xFFFF  }
0x3e: {  	s31 =	simm.s32 $0x2;
	[sflag:s2] =	ssyncpa.u1 $0x1  }
0x3f: {  	[sflag:s31] =	ssyncpa.u1 $0x1  }
0x40: {  	p0 =	sne.s32 s0, $0x0;
	_ =	strace $0x9000004A  }
0x41: {  	s0 =	sadd.s32 @!p0 $0x100000, s1;
	[bflag:$0x2] =	sbarrier.arrive $0xFFFF  }
0x42: {  	[sflag:s0] =	ssyncadd.tile.s32 @!p0 $0x1;
	_ =	shalt  }
.Lfunc_end1:
_tile_overlayer_lowered:
.L_overlay_start_2:
0x43: {  	(tag) =	ssettag $0x2  }
0x44: {  	s0 =	rddreg [dreg:$0x0];
	s2 =	stileid.u32  }
0x45: {  	s1 =	rddreg [dreg:$0x1];
	p0 =	sne.s32 s2, $0x0  }
0x46: {  	s3 =	rddreg [dreg:$0x2];
	[bflag:$0x3] =	sbarrier.arrive $0xFFFF;
	s2 =	simm.s32 @!p0 $0x1C01  }
0x47: {  	[timem:s3], [sflag:s2] =	dma.local @!p0 [hbm:s0], s1  }
0x48: {  	s0 =	simm.s32 @!p0 $0x1  }
0x49: {  	_ =	swait.ge @!p0 [sflag:s0], s1  }
0x4a: {  	s1 =	ssub.s32 @!p0 $0x0, s1;
	[sflag:s0] =	ssyncset.done @!p0 $0x0  }
0x4b: {  	[sflag:s0] =	ssyncadd.s32 @!p0 s1  }
0x4c: {  	[bflag:$0x3] =	sbarrier.arrive $0xFFFF  }
0x4d: {  	_ =	shalt  }

</sc_bundles>
